<compile_context>
chip_gen: v7x
topology: tpu7x:2x2x1
jax: 0.10.2.dev20260603
libtpu: 0.0.44.dev20260713+nightly
codegen_flags: <defaults>
</compile_context>

<pallas_src>
import jax
import jax.numpy as jnp
import numpy as np
from jax import lax
from jax.experimental import pallas as pl
from jax.experimental.pallas import tpu as pltpu
from jax.experimental.pallas import tpu_sc as plsc

_FIELD_DIMS = [100000] * 26
_TOTAL = sum(_FIELD_DIMS)
_F = len(_FIELD_DIMS)
_D = 16
_H = 64
_B = 4096

_NC = 2
_NS = 16
_NW = _NC * _NS
_BPW = _B // _NW
_RPW = _F * _BPW


def _sc_gather_body(idx_hbm, emb_hbm, lin_hbm, cross_out, lin_out,
                    idx_v, rows_v, lin_v, cross_v, lin_sum_v, sem):
    wid = lax.axis_index("c") * _NS + lax.axis_index("s")
    base = wid * _BPW

    pltpu.sync_copy(idx_hbm.at[:, pl.ds(base, _BPW)], idx_v)

    copies = []
    for f in range(_F):
        copies.append(pltpu.make_async_copy(
            emb_hbm.at[idx_v.at[f]], rows_v.at[pl.ds(f * _BPW, _BPW), :], sem))
        copies.append(pltpu.make_async_copy(
            lin_hbm.at[idx_v.at[f]], lin_v.at[f], sem))
    for c in copies:
        c.start()
    for c in copies:
        c.wait()

    def cross_body(b, _):
        s = jnp.zeros((_D,), jnp.float32)
        q = jnp.zeros((_D,), jnp.float32)
        for f in range(_F):
            r = rows_v[b + f * _BPW, :]
            s = s + r
            q = q + r * r
        cross_v[b, :] = 0.5 * (s * s - q)
        return _

    lax.fori_loop(0, _BPW, cross_body, None)

    for g in range(_BPW // 16):
        acc = jnp.zeros((16,), jnp.float32)
        for f in range(_F):
            acc = acc + lin_v[f, pl.ds(g * 16, 16)]
        lin_sum_v[pl.ds(g * 16, 16)] = acc

    pltpu.sync_copy(cross_v, cross_out.at[pl.ds(base, _BPW)])
    pltpu.sync_copy(lin_sum_v, lin_out.at[pl.ds(base, _BPW)])


@jax.jit
def _sc_gather(idx_t, emb3, lin_flat):
    mesh = plsc.VectorSubcoreMesh(core_axis_name="c", subcore_axis_name="s",
                                  num_cores=_NC, num_subcores=_NS)
    return pl.kernel(
        _sc_gather_body,
        out_type=(jax.ShapeDtypeStruct((_B, _D), jnp.float32),
                  jax.ShapeDtypeStruct((_B,), jnp.float32)),
        mesh=mesh,
        scratch_types=(
            pltpu.VMEM((_F, _BPW), jnp.int32),
            pltpu.VMEM((_RPW, _D), jnp.float32),
            pltpu.VMEM((_F, _BPW), jnp.float32),
            pltpu.VMEM((_BPW, _D), jnp.float32),
            pltpu.VMEM((_BPW,), jnp.float32),
            pltpu.SemaphoreType.DMA,
        ),
        compiler_params=pltpu.CompilerParams(use_tc_tiling_on_sc=False),
    )(idx_t, emb3, lin_flat)


_CW = 1024
_NFULL = _TOTAL // _CW
_CTAIL = _TOTAL - _NFULL * _CW
_NPER = _NFULL // _NW
_NREM = _NFULL - _NPER * _NW


def _sc_transpose_body(embt_hbm, tail_hbm, out_hbm, slab_a, slab_b, col_a,
                       col_b, sem_ia, sem_ib, sem_oa, sem_ob):
    wid = lax.axis_index("c") * _NS + lax.axis_index("s")
    lanes = lax.iota(jnp.int32, 16)

    def c0_of(j):
        return (j * _NW + wid) * _CW

    def start_in(j, slab, sem):
        pltpu.make_async_copy(
            embt_hbm.at[:, pl.ds(c0_of(j), _CW)], slab, sem).start()

    def wait_in(slab, sem):
        pltpu.make_async_copy(
            embt_hbm.at[:, pl.ds(0, _CW)], slab, sem).wait()

    def transpose_chunk(slab, col, cw):
        def col_body(c, _):
            vs = [plsc.load_gather(slab, [lanes, lanes * 0 + c * 16 + u])
                  for u in range(16)]
            for u in range(16):
                col[pl.ds((c * 16 + u) * _D, _D)] = vs[u]
            return _
        lax.fori_loop(0, cw // 16, col_body, None)

    def start_out(j, col, sem):
        pltpu.make_async_copy(
            col, out_hbm.at[pl.ds(c0_of(j) * _D, _CW * _D)], sem).start()

    def wait_out(col, sem):
        pltpu.make_async_copy(
            out_hbm.at[pl.ds(0, _CW * _D)], col, sem).wait()

    start_in(0, slab_a, sem_ia)

    def pair(t, _):
        ja = 2 * t
        jb = 2 * t + 1
        wait_in(slab_a, sem_ia)
        @pl.when(jb < _NPER)
        def _():
            start_in(jb, slab_b, sem_ib)
        @pl.when(t >= 1)
        def _():
            wait_out(col_a, sem_oa)
        transpose_chunk(slab_a, col_a, _CW)
        start_out(ja, col_a, sem_oa)

        @pl.when(jb < _NPER)
        def _():
            wait_in(slab_b, sem_ib)
            @pl.when(jb + 1 < _NPER)
            def _():
                start_in(jb + 1, slab_a, sem_ia)
            @pl.when(t >= 1)
            def _():
                wait_out(col_b, sem_ob)
            transpose_chunk(slab_b, col_b, _CW)
            start_out(jb, col_b, sem_ob)
        return _

    npair = (_NPER + 1) // 2
    lax.fori_loop(0, npair, pair, None)
    wait_out(col_a, sem_oa)
    if _NPER > 1:
        wait_out(col_b, sem_ob)

    @pl.when(wid < _NREM)
    def _():
        base = (_NPER * _NW + wid) * _CW
        pltpu.make_async_copy(
            embt_hbm.at[:, pl.ds(base, _CW)], slab_a, sem_ia).start()
        wait_in(slab_a, sem_ia)
        transpose_chunk(slab_a, col_a, _CW)
        pltpu.sync_copy(col_a, out_hbm.at[pl.ds(base * _D, _CW * _D)])

    if _CTAIL:
        @pl.when(wid == _NW - 1)
        def _():
            pltpu.sync_copy(
                tail_hbm,
                out_hbm.at[pl.ds(_NFULL * _CW * _D, _CTAIL * _D)])


@jax.jit
def _sc_transpose(embt, tail_flat):
    mesh = plsc.VectorSubcoreMesh(core_axis_name="c", subcore_axis_name="s",
                                  num_cores=_NC, num_subcores=_NS)
    return pl.kernel(
        _sc_transpose_body,
        out_type=jax.ShapeDtypeStruct((_TOTAL * _D,), jnp.float32),
        mesh=mesh,
        scratch_types=(
            pltpu.VMEM((_D, _CW), jnp.float32),
            pltpu.VMEM((_D, _CW), jnp.float32),
            pltpu.VMEM((_CW * _D,), jnp.float32),
            pltpu.VMEM((_CW * _D,), jnp.float32),
            pltpu.SemaphoreType.DMA,
            pltpu.SemaphoreType.DMA,
            pltpu.SemaphoreType.DMA,
            pltpu.SemaphoreType.DMA,
        ),
        compiler_params=pltpu.CompilerParams(needs_layout_passes=False),
    )(embt, tail_flat)


def _tc_dense_body(cross_ref, lin_ref, g1_ref, b1_ref, w1_ref, c1_ref,
                   g2_ref, b2_ref, w2_ref, c2_ref, out_ref):
    eps = 1e-5
    c = cross_ref[...]
    mean1 = jnp.mean(c, axis=0, keepdims=True)
    var1 = jnp.mean((c - mean1) ** 2, axis=0, keepdims=True)
    h = (c - mean1) * lax.rsqrt(var1 + eps) * g1_ref[...] + b1_ref[...]
    h = jnp.dot(h, w1_ref[...], preferred_element_type=jnp.float32) + c1_ref[...]
    mean2 = jnp.mean(h, axis=0, keepdims=True)
    var2 = jnp.mean((h - mean2) ** 2, axis=0, keepdims=True)
    h = (h - mean2) * lax.rsqrt(var2 + eps) * g2_ref[...] + b2_ref[...]
    h = jnp.maximum(h, 0.0)
    deep = jnp.dot(h, w2_ref[...], preferred_element_type=jnp.float32)
    logits = deep + c2_ref[...] + lin_ref[...]
    out_ref[...] = jax.nn.sigmoid(logits)


@jax.jit
def _tc_dense(cross, lin2, g1, b1, w1, c1, g2, b2, w2, c2):
    return pl.pallas_call(
        _tc_dense_body,
        out_shape=jax.ShapeDtypeStruct((_B, 1), jnp.float32),
    )(cross, lin2, g1, b1, w1, c1, g2, b2, w2, c2)


def kernel(x, emb_table, lin_w, lin_b, bn1_gamma, bn1_beta, mlp_W, mlp_b,
           bn2_gamma, bn2_beta, out_W, out_b):
    offsets = jnp.asarray(
        np.concatenate([[0], np.cumsum(_FIELD_DIMS)[:-1]]).astype(np.int32))
    idx_t = x.T.astype(jnp.int32) + offsets[:, None]

    tail_flat = emb_table[_NFULL * _CW:, :].reshape(_CTAIL * _D)
    emb_rm = _sc_transpose(emb_table.T, tail_flat).reshape(_TOTAL, _D)
    cross, lin = _sc_gather(idx_t, emb_rm, lin_w.reshape(_TOTAL))

    out = _tc_dense(
        cross,
        lin.reshape(_B, 1),
        bn1_gamma.reshape(1, _D), bn1_beta.reshape(1, _D),
        mlp_W, mlp_b.reshape(1, _H),
        bn2_gamma.reshape(1, _H), bn2_beta.reshape(1, _H),
        out_W, (out_b + lin_b).reshape(1, 1),
    )
    return out.reshape(_B)

# --- scband reference (transcript-rebuilt; emitter-appended) ---
"""Pipeline reference for scband-neural-factorization-machine-42021960024766 (READ-ONLY COPY).

The authoritative reference and input builder live on the scoring server;
editing this copy changes nothing except your own understanding.
"""

import jax, jax.numpy as jnp
import numpy as np

FIELD_DIMS = [100000] * 26
TOTAL = sum(FIELD_DIMS)
EMBED_DIM = 16
MLP_DIM = 64
BATCH = 4096


def setup_inputs(seed: int = 0):
    key = jax.random.key(seed)
    ks = jax.random.split(key, 8)
    x = jax.random.randint(ks[0], (BATCH, len(FIELD_DIMS)), 0, FIELD_DIMS[0])
    emb_table = jax.random.normal(ks[1], (TOTAL, EMBED_DIM), dtype=jnp.float32) * 0.01
    lin_w = jax.random.normal(ks[2], (TOTAL, 1), dtype=jnp.float32) * 0.01
    lin_b = jnp.zeros((1,), dtype=jnp.float32)
    bn1_gamma = jnp.ones((EMBED_DIM,), dtype=jnp.float32)
    bn1_beta = jnp.zeros((EMBED_DIM,), dtype=jnp.float32)
    mlp_W = jax.random.normal(ks[3], (EMBED_DIM, MLP_DIM), dtype=jnp.float32) * (1.0 / np.sqrt(EMBED_DIM))
    mlp_b = jnp.zeros((MLP_DIM,), dtype=jnp.float32)
    bn2_gamma = jnp.ones((MLP_DIM,), dtype=jnp.float32)
    bn2_beta = jnp.zeros((MLP_DIM,), dtype=jnp.float32)
    out_W = jax.random.normal(ks[4], (MLP_DIM, 1), dtype=jnp.float32) * (1.0 / np.sqrt(MLP_DIM))
    out_b = jnp.zeros((1,), dtype=jnp.float32)
    return {"x": x, "emb_table": emb_table, "lin_w": lin_w, "lin_b": lin_b,
            "bn1_gamma": bn1_gamma, "bn1_beta": bn1_beta,
            "mlp_W": mlp_W, "mlp_b": mlp_b,
            "bn2_gamma": bn2_gamma, "bn2_beta": bn2_beta,
            "out_W": out_W, "out_b": out_b}


def _batchnorm(h, gamma, beta, eps=1e-5):
    mean = jnp.mean(h, axis=0, keepdims=True)
    var = jnp.var(h, axis=0, keepdims=True)
    return (h - mean) / jnp.sqrt(var + eps) * gamma + beta


def reference(x, emb_table, lin_w, lin_b, bn1_gamma, bn1_beta, mlp_W, mlp_b, bn2_gamma, bn2_beta, out_W, out_b):
    offsets = jnp.asarray(np.concatenate([[0], np.cumsum(FIELD_DIMS)[:-1]]).astype(np.int32))
    idx = x + offsets[None, :]
    # embedding lookup: [B, F, D]
    e = jnp.take(emb_table, idx, axis=0)
    # FM cross term (reduce_sum=False): 0.5 * ((sum_f e)^2 - sum_f e^2) -> [B, D]
    sum_e = jnp.sum(e, axis=1)
    sum_sq = jnp.sum(e * e, axis=1)
    cross = 0.5 * (sum_e * sum_e - sum_sq)
    # BatchNorm1d(embed_dim) + Dropout(identity in eval)
    h = _batchnorm(cross, bn1_gamma, bn1_beta)
    # MLP: Linear -> BN -> ReLU -> Dropout(identity)
    h = h @ mlp_W + mlp_b
    h = _batchnorm(h, bn2_gamma, bn2_beta)
    h = jax.nn.relu(h)
    deep = h @ out_W + out_b  # [B, 1]
    # linear (logistic regression) term: sum of per-feature weights + bias
    lin = jnp.sum(jnp.take(lin_w, idx, axis=0), axis=1) + lin_b  # [B, 1]
    logits = jax.nn.sigmoid(jnp.squeeze(lin + deep, axis=1))
    return logits

if __name__ == "__main__":
    import jax
    _d = setup_inputs()
    print(jax.jit(kernel)(*tuple(_d.values())))

</pallas_src>

<mosaic_0001>
#map = affine_map<(d0, d1) -> (0, 0)>
#map1 = affine_map<(d0, d1) -> (0)>
module attributes {stable_mosaic.version = 14 : i64} {
  func.func @_sc_transpose_body(%arg0: i32, %arg1: i32, %arg2: memref<16x2600000xf32, #tpu.memory_space<hbm>>, %arg3: memref<1024xf32, #tpu.memory_space<hbm>>, %arg4: memref<41600000xf32, #tpu.memory_space<hbm>>, %arg5: memref<16x1024xf32, #tpu.memory_space<vmem>>, %arg6: memref<16x1024xf32, #tpu.memory_space<vmem>>, %arg7: memref<16384xf32, #tpu.memory_space<vmem>>, %arg8: memref<16384xf32, #tpu.memory_space<vmem>>, %arg9: memref<!tpu.dma_semaphore, #tpu.memory_space<semaphore_mem>>, %arg10: memref<!tpu.dma_semaphore, #tpu.memory_space<semaphore_mem>>, %arg11: memref<!tpu.dma_semaphore, #tpu.memory_space<semaphore_mem>>, %arg12: memref<!tpu.dma_semaphore, #tpu.memory_space<semaphore_mem>>) attributes {dimension_semantics = [#tpu.dimension_semantics<core_parallel>, #tpu.dimension_semantics<subcore_parallel>], iteration_bounds = array<i64: 2, 16>, scalar_prefetch = 0 : i64, scratch_operands = 8 : i64, tpu.core_type = #tpu.core_type<sc_vector_subcore>, window_params = [{transform_indices = #map}, {transform_indices = #map1}, {transform_indices = #map1}]} {
    %mul3A = arith.constant 16 : i32
    %mul3A_0 = arith.muli %arg0, %mul3A : i32
    %add3A = arith.addi %mul3A_0, %arg1 : i32
    %iota3A = tpu.iota {dimensions = array<i32: 0>} : vector<16xi32>
    %add3A_1 = arith.constant 0 : i32
    %add3A_2 = arith.addi %add3A_1, %add3A : i32
    %mul3A_3 = arith.constant 1024 : i32
    %mul3A_4 = arith.muli %add3A_2, %mul3A_3 : i32
    %dma_start3A = arith.constant 0 : i32
    %dma_start3A_5 = tpu.memref_slice %arg2[%dma_start3A, %mul3A_4] : memref<16x2600000xf32, #tpu.memory_space<hbm>> -> memref<16x1024xf32, #tpu.memory_space<hbm>>
    %dma_start3A_6 = arith.constant 0 : i32
    %dma_start3A_7 = tpu.memref_slice %arg2[%dma_start3A_6, %mul3A_4] : memref<16x2600000xf32, #tpu.memory_space<hbm>> -> memref<16x1024xf32, #tpu.memory_space<hbm>>
    tpu.enqueue_dma source(%dma_start3A_7 : memref<16x1024xf32, #tpu.memory_space<hbm>>) target(%arg5 : memref<16x1024xf32, #tpu.memory_space<vmem>>) target_semaphore(%arg9 : memref<!tpu.dma_semaphore, #tpu.memory_space<semaphore_mem>>)
    %scan3A = arith.constant 0 : i32
    %scan3A_8 = arith.constant 40 : i32
    %scan3A_9 = arith.addi %scan3A, %scan3A_8 : i32
    %scan3A_10 = arith.constant 1 : i32
    scf.for %scan3A_25 = %scan3A to %scan3A_9 step %scan3A_10  : i32 {
      %mul3A_26 = arith.constant 2 : i32
      %mul3A_27 = arith.muli %mul3A_26, %scan3A_25 : i32
      %mul3A_28 = arith.constant 2 : i32
      %mul3A_29 = arith.muli %mul3A_28, %scan3A_25 : i32
      %add3A_30 = arith.constant 1 : i32
      %add3A_31 = arith.addi %mul3A_29, %add3A_30 : i32
      %dma_wait3A_32 = arith.constant 0 : i32
      %dma_wait3A_33 = arith.constant 0 : i32
      %dma_wait3A_34 = tpu.memref_slice %arg2[%dma_wait3A_32, %dma_wait3A_33] : memref<16x2600000xf32, #tpu.memory_space<hbm>> -> memref<16x1024xf32, #tpu.memory_space<hbm>>
      %dma_wait3A_35 = arith.constant 0 : i32
      %dma_wait3A_36 = arith.constant 0 : i32
      %dma_wait3A_37 = tpu.memref_slice %arg2[%dma_wait3A_35, %dma_wait3A_36] : memref<16x2600000xf32, #tpu.memory_space<hbm>> -> memref<16x1024xf32, #tpu.memory_space<hbm>>
      tpu.wait_dma2 semaphore(%arg9 : memref<!tpu.dma_semaphore, #tpu.memory_space<semaphore_mem>>) src(%dma_wait3A_37 : memref<16x1024xf32, #tpu.memory_space<hbm>>) dst(%arg5 : memref<16x1024xf32, #tpu.memory_space<vmem>>)
      %lt3A_38 = arith.constant 79 : i32
      %lt3A_39 = arith.cmpi slt, %add3A_31, %lt3A_38 : i32
      %convert_element_type3A_40 = arith.extui %lt3A_39 : i1 to i32
      %cond3A_41 = arith.constant 0 : i32
      %cond3A_42 = arith.cmpi ne, %convert_element_type3A_40, %cond3A_41 : i32
      scf.if %cond3A_42 {
        %mul3A_66 = arith.constant 32 : i32
        %mul3A_67 = arith.muli %add3A_31, %mul3A_66 : i32
        %add3A_68 = arith.addi %mul3A_67, %add3A : i32
        %mul3A_69 = arith.constant 1024 : i32
        %mul3A_70 = arith.muli %add3A_68, %mul3A_69 : i32
        %dma_start3A_71 = arith.constant 0 : i32
        %dma_start3A_72 = tpu.memref_slice %arg2[%dma_start3A_71, %mul3A_70] : memref<16x2600000xf32, #tpu.memory_space<hbm>> -> memref<16x1024xf32, #tpu.memory_space<hbm>>
        %dma_start3A_73 = arith.constant 0 : i32
        %dma_start3A_74 = tpu.memref_slice %arg2[%dma_start3A_73, %mul3A_70] : memref<16x2600000xf32, #tpu.memory_space<hbm>> -> memref<16x1024xf32, #tpu.memory_space<hbm>>
        tpu.enqueue_dma source(%dma_start3A_74 : memref<16x1024xf32, #tpu.memory_space<hbm>>) target(%arg6 : memref<16x1024xf32, #tpu.memory_space<vmem>>) target_semaphore(%arg10 : memref<!tpu.dma_semaphore, #tpu.memory_space<semaphore_mem>>)
      } else {
      }
      %ge3A = arith.constant 1 : i32
      %ge3A_43 = arith.cmpi sge, %scan3A_25, %ge3A : i32
      %convert_element_type3A_44 = arith.extui %ge3A_43 : i1 to i32
      %cond3A_45 = arith.constant 0 : i32
      %cond3A_46 = arith.cmpi ne, %convert_element_type3A_44, %cond3A_45 : i32
      scf.if %cond3A_46 {
        %dma_wait3A_66 = arith.constant 0 : i32
        %dma_wait3A_67 = tpu.memref_slice %arg4[%dma_wait3A_66] : memref<41600000xf32, #tpu.memory_space<hbm>> -> memref<16384xf32, #tpu.memory_space<hbm>>
        %dma_wait3A_68 = arith.constant 0 : i32
        %dma_wait3A_69 = tpu.memref_slice %arg4[%dma_wait3A_68] : memref<41600000xf32, #tpu.memory_space<hbm>> -> memref<16384xf32, #tpu.memory_space<hbm>>
        tpu.wait_dma2 semaphore(%arg11 : memref<!tpu.dma_semaphore, #tpu.memory_space<semaphore_mem>>) src(%dma_wait3A_69 : memref<16384xf32, #tpu.memory_space<hbm>>) dst(%arg7 : memref<16384xf32, #tpu.memory_space<vmem>>)
      } else {
      }
      %scan3A_47 = arith.constant 0 : i32
      %scan3A_48 = arith.constant 64 : i32
      %scan3A_49 = arith.addi %scan3A_47, %scan3A_48 : i32
      %scan3A_50 = arith.constant 1 : i32
      scf.for %scan3A_66 = %scan3A_47 to %scan3A_49 step %scan3A_50  : i32 {
        %mul3A_67 = arith.constant 0 : i32
        %mul3A_68 = vector.broadcast %mul3A_67 : i32 to vector<16xi32>
        %mul3A_69 = arith.muli %iota3A, %mul3A_68 : vector<16xi32>
        %mul3A_70 = arith.constant 16 : i32
        %mul3A_71 = arith.muli %scan3A_66, %mul3A_70 : i32
        %add3A_72 = vector.broadcast %mul3A_71 : i32 to vector<16xi32>
        %add3A_73 = arith.addi %mul3A_69, %add3A_72 : vector<16xi32>
        %add3A_74 = arith.constant 0 : i32
        %add3A_75 = vector.broadcast %add3A_74 : i32 to vector<16xi32>
        %add3A_76 = arith.addi %add3A_73, %add3A_75 : vector<16xi32>
        %gather3A = tpu.vector_load_idx %arg5[%iota3A, %add3A_76] : memref<16x1024xf32, #tpu.memory_space<vmem>>[vector<16xi32>, vector<16xi32>], vector<16xf32>,
        %mul3A_77 = arith.constant 0 : i32
        %mul3A_78 = vector.broadcast %mul3A_77 : i32 to vector<16xi32>
        %mul3A_79 = arith.muli %iota3A, %mul3A_78 : vector<16xi32>
        %mul3A_80 = arith.constant 16 : i32
        %mul3A_81 = arith.muli %scan3A_66, %mul3A_80 : i32
        %add3A_82 = vector.broadcast %mul3A_81 : i32 to vector<16xi32>
        %add3A_83 = arith.addi %mul3A_79, %add3A_82 : vector<16xi32>
        %add3A_84 = arith.constant 1 : i32
        %add3A_85 = vector.broadcast %add3A_84 : i32 to vector<16xi32>
        %add3A_86 = arith.addi %add3A_83, %add3A_85 : vector<16xi32>
        %gather3A_87 = tpu.vector_load_idx %arg5[%iota3A, %add3A_86] : memref<16x1024xf32, #tpu.memory_space<vmem>>[vector<16xi32>, vector<16xi32>], vector<16xf32>,
        %mul3A_88 = arith.constant 0 : i32
        %mul3A_89 = vector.broadcast %mul3A_88 : i32 to vector<16xi32>
        %mul3A_90 = arith.muli %iota3A, %mul3A_89 : vector<16xi32>
        %mul3A_91 = arith.constant 16 : i32
        %mul3A_92 = arith.muli %scan3A_66, %mul3A_91 : i32
        %add3A_93 = vector.broadcast %mul3A_92 : i32 to vector<16xi32>
        %add3A_94 = arith.addi %mul3A_90, %add3A_93 : vector<16xi32>
        %add3A_95 = arith.constant 2 : i32
        %add3A_96 = vector.broadcast %add3A_95 : i32 to vector<16xi32>
        %add3A_97 = arith.addi %add3A_94, %add3A_96 : vector<16xi32>
        %gather3A_98 = tpu.vector_load_idx %arg5[%iota3A, %add3A_97] : memref<16x1024xf32, #tpu.memory_space<vmem>>[vector<16xi32>, vector<16xi32>], vector<16xf32>,
        %mul3A_99 = arith.constant 0 : i32
        %mul3A_100 = vector.broadcast %mul3A_99 : i32 to vector<16xi32>
        %mul3A_101 = arith.muli %iota3A, %mul3A_100 : vector<16xi32>
        %mul3A_102 = arith.constant 16 : i32
        %mul3A_103 = arith.muli %scan3A_66, %mul3A_102 : i32
        %add3A_104 = vector.broadcast %mul3A_103 : i32 to vector<16xi32>
        %add3A_105 = arith.addi %mul3A_101, %add3A_104 : vector<16xi32>
        %add3A_106 = arith.constant 3 : i32
        %add3A_107 = vector.broadcast %add3A_106 : i32 to vector<16xi32>
        %add3A_108 = arith.addi %add3A_105, %add3A_107 : vector<16xi32>
        %gather3A_109 = tpu.vector_load_idx %arg5[%iota3A, %add3A_108] : memref<16x1024xf32, #tpu.memory_space<vmem>>[vector<16xi32>, vector<16xi32>], vector<16xf32>,
        %mul3A_110 = arith.constant 0 : i32
        %mul3A_111 = vector.broadcast %mul3A_110 : i32 to vector<16xi32>
        %mul3A_112 = arith.muli %iota3A, %mul3A_111 : vector<16xi32>
        %mul3A_113 = arith.constant 16 : i32
        %mul3A_114 = arith.muli %scan3A_66, %mul3A_113 : i32
        %add3A_115 = vector.broadcast %mul3A_114 : i32 to vector<16xi32>
        %add3A_116 = arith.addi %mul3A_112, %add3A_115 : vector<16xi32>
        %add3A_117 = arith.constant 4 : i32
        %add3A_118 = vector.broadcast %add3A_117 : i32 to vector<16xi32>
        %add3A_119 = arith.addi %add3A_116, %add3A_118 : vector<16xi32>
        %gather3A_120 = tpu.vector_load_idx %arg5[%iota3A, %add3A_119] : memref<16x1024xf32, #tpu.memory_space<vmem>>[vector<16xi32>, vector<16xi32>], vector<16xf32>,
        %mul3A_121 = arith.constant 0 : i32
        %mul3A_122 = vector.broadcast %mul3A_121 : i32 to vector<16xi32>
        %mul3A_123 = arith.muli %iota3A, %mul3A_122 : vector<16xi32>
        %mul3A_124 = arith.constant 16 : i32
        %mul3A_125 = arith.muli %scan3A_66, %mul3A_124 : i32
        %add3A_126 = vector.broadcast %mul3A_125 : i32 to vector<16xi32>
        %add3A_127 = arith.addi %mul3A_123, %add3A_126 : vector<16xi32>
        %add3A_128 = arith.constant 5 : i32
        %add3A_129 = vector.broadcast %add3A_128 : i32 to vector<16xi32>
        %add3A_130 = arith.addi %add3A_127, %add3A_129 : vector<16xi32>
        %gather3A_131 = tpu.vector_load_idx %arg5[%iota3A, %add3A_130] : memref<16x1024xf32, #tpu.memory_space<vmem>>[vector<16xi32>, vector<16xi32>], vector<16xf32>,
        %mul3A_132 = arith.constant 0 : i32
        %mul3A_133 = vector.broadcast %mul3A_132 : i32 to vector<16xi32>
        %mul3A_134 = arith.muli %iota3A, %mul3A_133 : vector<16xi32>
        %mul3A_135 = arith.constant 16 : i32
        %mul3A_136 = arith.muli %scan3A_66, %mul3A_135 : i32
        %add3A_137 = vector.broadcast %mul3A_136 : i32 to vector<16xi32>
        %add3A_138 = arith.addi %mul3A_134, %add3A_137 : vector<16xi32>
        %add3A_139 = arith.constant 6 : i32
        %add3A_140 = vector.broadcast %add3A_139 : i32 to vector<16xi32>
        %add3A_141 = arith.addi %add3A_138, %add3A_140 : vector<16xi32>
        %gather3A_142 = tpu.vector_load_idx %arg5[%iota3A, %add3A_141] : memref<16x1024xf32, #tpu.memory_space<vmem>>[vector<16xi32>, vector<16xi32>], vector<16xf32>,
        %mul3A_143 = arith.constant 0 : i32
        %mul3A_144 = vector.broadcast %mul3A_143 : i32 to vector<16xi32>
        %mul3A_145 = arith.muli %iota3A, %mul3A_144 : vector<16xi32>
        %mul3A_146 = arith.constant 16 : i32
        %mul3A_147 = arith.muli %scan3A_66, %mul3A_146 : i32
        %add3A_148 = vector.broadcast %mul3A_147 : i32 to vector<16xi32>
        %add3A_149 = arith.addi %mul3A_145, %add3A_148 : vector<16xi32>
        %add3A_150 = arith.constant 7 : i32
        %add3A_151 = vector.broadcast %add3A_150 : i32 to vector<16xi32>
        %add3A_152 = arith.addi %add3A_149, %add3A_151 : vector<16xi32>
        %gather3A_153 = tpu.vector_load_idx %arg5[%iota3A, %add3A_152] : memref<16x1024xf32, #tpu.memory_space<vmem>>[vector<16xi32>, vector<16xi32>], vector<16xf32>,
        %mul3A_154 = arith.constant 0 : i32
        %mul3A_155 = vector.broadcast %mul3A_154 : i32 to vector<16xi32>
        %mul3A_156 = arith.muli %iota3A, %mul3A_155 : vector<16xi32>
        %mul3A_157 = arith.constant 16 : i32
        %mul3A_158 = arith.muli %scan3A_66, %mul3A_157 : i32
        %add3A_159 = vector.broadcast %mul3A_158 : i32 to vector<16xi32>
        %add3A_160 = arith.addi %mul3A_156, %add3A_159 : vector<16xi32>
        %add3A_161 = arith.constant 8 : i32
        %add3A_162 = vector.broadcast %add3A_161 : i32 to vector<16xi32>
        %add3A_163 = arith.addi %add3A_160, %add3A_162 : vector<16xi32>
        %gather3A_164 = tpu.vector_load_idx %arg5[%iota3A, %add3A_163] : memref<16x1024xf32, #tpu.memory_space<vmem>>[vector<16xi32>, vector<16xi32>], vector<16xf32>,
        %mul3A_165 = arith.constant 0 : i32
        %mul3A_166 = vector.broadcast %mul3A_165 : i32 to vector<16xi32>
        %mul3A_167 = arith.muli %iota3A, %mul3A_166 : vector<16xi32>
        %mul3A_168 = arith.constant 16 : i32
        %mul3A_169 = arith.muli %scan3A_66, %mul3A_168 : i32
        %add3A_170 = vector.broadcast %mul3A_169 : i32 to vector<16xi32>
        %add3A_171 = arith.addi %mul3A_167, %add3A_170 : vector<16xi32>
        %add3A_172 = arith.constant 9 : i32
        %add3A_173 = vector.broadcast %add3A_172 : i32 to vector<16xi32>
        %add3A_174 = arith.addi %add3A_171, %add3A_173 : vector<16xi32>
        %gather3A_175 = tpu.vector_load_idx %arg5[%iota3A, %add3A_174] : memref<16x1024xf32, #tpu.memory_space<vmem>>[vector<16xi32>, vector<16xi32>], vector<16xf32>,
        %mul3A_176 = arith.constant 0 : i32
        %mul3A_177 = vector.broadcast %mul3A_176 : i32 to vector<16xi32>
        %mul3A_178 = arith.muli %iota3A, %mul3A_177 : vector<16xi32>
        %mul3A_179 = arith.constant 16 : i32
        %mul3A_180 = arith.muli %scan3A_66, %mul3A_179 : i32
        %add3A_181 = vector.broadcast %mul3A_180 : i32 to vector<16xi32>
        %add3A_182 = arith.addi %mul3A_178, %add3A_181 : vector<16xi32>
        %add3A_183 = arith.constant 10 : i32
        %add3A_184 = vector.broadcast %add3A_183 : i32 to vector<16xi32>
        %add3A_185 = arith.addi %add3A_182, %add3A_184 : vector<16xi32>
        %gather3A_186 = tpu.vector_load_idx %arg5[%iota3A, %add3A_185] : memref<16x1024xf32, #tpu.memory_space<vmem>>[vector<16xi32>, vector<16xi32>], vector<16xf32>,
        %mul3A_187 = arith.constant 0 : i32
        %mul3A_188 = vector.broadcast %mul3A_187 : i32 to vector<16xi32>
        %mul3A_189 = arith.muli %iota3A, %mul3A_188 : vector<16xi32>
        %mul3A_190 = arith.constant 16 : i32
        %mul3A_191 = arith.muli %scan3A_66, %mul3A_190 : i32
        %add3A_192 = vector.broadcast %mul3A_191 : i32 to vector<16xi32>
        %add3A_193 = arith.addi %mul3A_189, %add3A_192 : vector<16xi32>
        %add3A_194 = arith.constant 11 : i32
        %add3A_195 = vector.broadcast %add3A_194 : i32 to vector<16xi32>
        %add3A_196 = arith.addi %add3A_193, %add3A_195 : vector<16xi32>
        %gather3A_197 = tpu.vector_load_idx %arg5[%iota3A, %add3A_196] : memref<16x1024xf32, #tpu.memory_space<vmem>>[vector<16xi32>, vector<16xi32>], vector<16xf32>,
        %mul3A_198 = arith.constant 0 : i32
        %mul3A_199 = vector.broadcast %mul3A_198 : i32 to vector<16xi32>
        %mul3A_200 = arith.muli %iota3A, %mul3A_199 : vector<16xi32>
        %mul3A_201 = arith.constant 16 : i32
        %mul3A_202 = arith.muli %scan3A_66, %mul3A_201 : i32
        %add3A_203 = vector.broadcast %mul3A_202 : i32 to vector<16xi32>
        %add3A_204 = arith.addi %mul3A_200, %add3A_203 : vector<16xi32>
        %add3A_205 = arith.constant 12 : i32
        %add3A_206 = vector.broadcast %add3A_205 : i32 to vector<16xi32>
        %add3A_207 = arith.addi %add3A_204, %add3A_206 : vector<16xi32>
        %gather3A_208 = tpu.vector_load_idx %arg5[%iota3A, %add3A_207] : memref<16x1024xf32, #tpu.memory_space<vmem>>[vector<16xi32>, vector<16xi32>], vector<16xf32>,
        %mul3A_209 = arith.constant 0 : i32
        %mul3A_210 = vector.broadcast %mul3A_209 : i32 to vector<16xi32>
        %mul3A_211 = arith.muli %iota3A, %mul3A_210 : vector<16xi32>
        %mul3A_212 = arith.constant 16 : i32
        %mul3A_213 = arith.muli %scan3A_66, %mul3A_212 : i32
        %add3A_214 = vector.broadcast %mul3A_213 : i32 to vector<16xi32>
        %add3A_215 = arith.addi %mul3A_211, %add3A_214 : vector<16xi32>
        %add3A_216 = arith.constant 13 : i32
        %add3A_217 = vector.broadcast %add3A_216 : i32 to vector<16xi32>
        %add3A_218 = arith.addi %add3A_215, %add3A_217 : vector<16xi32>
        %gather3A_219 = tpu.vector_load_idx %arg5[%iota3A, %add3A_218] : memref<16x1024xf32, #tpu.memory_space<vmem>>[vector<16xi32>, vector<16xi32>], vector<16xf32>,
        %mul3A_220 = arith.constant 0 : i32
        %mul3A_221 = vector.broadcast %mul3A_220 : i32 to vector<16xi32>
        %mul3A_222 = arith.muli %iota3A, %mul3A_221 : vector<16xi32>
        %mul3A_223 = arith.constant 16 : i32
        %mul3A_224 = arith.muli %scan3A_66, %mul3A_223 : i32
        %add3A_225 = vector.broadcast %mul3A_224 : i32 to vector<16xi32>
        %add3A_226 = arith.addi %mul3A_222, %add3A_225 : vector<16xi32>
        %add3A_227 = arith.constant 14 : i32
        %add3A_228 = vector.broadcast %add3A_227 : i32 to vector<16xi32>
        %add3A_229 = arith.addi %add3A_226, %add3A_228 : vector<16xi32>
        %gather3A_230 = tpu.vector_load_idx %arg5[%iota3A, %add3A_229] : memref<16x1024xf32, #tpu.memory_space<vmem>>[vector<16xi32>, vector<16xi32>], vector<16xf32>,
        %mul3A_231 = arith.constant 0 : i32
        %mul3A_232 = vector.broadcast %mul3A_231 : i32 to vector<16xi32>
        %mul3A_233 = arith.muli %iota3A, %mul3A_232 : vector<16xi32>
        %mul3A_234 = arith.constant 16 : i32
        %mul3A_235 = arith.muli %scan3A_66, %mul3A_234 : i32
        %add3A_236 = vector.broadcast %mul3A_235 : i32 to vector<16xi32>
        %add3A_237 = arith.addi %mul3A_233, %add3A_236 : vector<16xi32>
        %add3A_238 = arith.constant 15 : i32
        %add3A_239 = vector.broadcast %add3A_238 : i32 to vector<16xi32>
        %add3A_240 = arith.addi %add3A_237, %add3A_239 : vector<16xi32>
        %gather3A_241 = tpu.vector_load_idx %arg5[%iota3A, %add3A_240] : memref<16x1024xf32, #tpu.memory_space<vmem>>[vector<16xi32>, vector<16xi32>], vector<16xf32>,
        %mul3A_242 = arith.constant 16 : i32
        %mul3A_243 = arith.muli %scan3A_66, %mul3A_242 : i32
        %add3A_244 = arith.constant 0 : i32
        %add3A_245 = arith.addi %mul3A_243, %add3A_244 : i32
        %mul3A_246 = arith.constant 16 : i32
        %mul3A_247 = arith.muli %add3A_245, %mul3A_246 : i32
        %swap3A = arith.index_cast %mul3A_247 : i32 to index
        %swap3A_248 = tpu.vector_load %arg7[%swap3A] {strides = array<i32>} : memref<16384xf32, #tpu.memory_space<vmem>>, vector<16xf32>,
        tpu.vector_store %arg7[%swap3A], %gather3A {strides = array<i32>} : memref<16384xf32, #tpu.memory_space<vmem>>, vector<16xf32>,
        %mul3A_249 = arith.constant 16 : i32
        %mul3A_250 = arith.muli %scan3A_66, %mul3A_249 : i32
        %add3A_251 = arith.constant 1 : i32
        %add3A_252 = arith.addi %mul3A_250, %add3A_251 : i32
        %mul3A_253 = arith.constant 16 : i32
        %mul3A_254 = arith.muli %add3A_252, %mul3A_253 : i32
        %swap3A_255 = arith.index_cast %mul3A_254 : i32 to index
        %swap3A_256 = tpu.vector_load %arg7[%swap3A_255] {strides = array<i32>} : memref<16384xf32, #tpu.memory_space<vmem>>, vector<16xf32>,
        tpu.vector_store %arg7[%swap3A_255], %gather3A_87 {strides = array<i32>} : memref<16384xf32, #tpu.memory_space<vmem>>, vector<16xf32>,
        %mul3A_257 = arith.constant 16 : i32
        %mul3A_258 = arith.muli %scan3A_66, %mul3A_257 : i32
        %add3A_259 = arith.constant 2 : i32
        %add3A_260 = arith.addi %mul3A_258, %add3A_259 : i32
        %mul3A_261 = arith.constant 16 : i32
        %mul3A_262 = arith.muli %add3A_260, %mul3A_261 : i32
        %swap3A_263 = arith.index_cast %mul3A_262 : i32 to index
        %swap3A_264 = tpu.vector_load %arg7[%swap3A_263] {strides = array<i32>} : memref<16384xf32, #tpu.memory_space<vmem>>, vector<16xf32>,
        tpu.vector_store %arg7[%swap3A_263], %gather3A_98 {strides = array<i32>} : memref<16384xf32, #tpu.memory_space<vmem>>, vector<16xf32>,
        %mul3A_265 = arith.constant 16 : i32
        %mul3A_266 = arith.muli %scan3A_66, %mul3A_265 : i32
        %add3A_267 = arith.constant 3 : i32
        %add3A_268 = arith.addi %mul3A_266, %add3A_267 : i32
        %mul3A_269 = arith.constant 16 : i32
        %mul3A_270 = arith.muli %add3A_268, %mul3A_269 : i32
        %swap3A_271 = arith.index_cast %mul3A_270 : i32 to index
        %swap3A_272 = tpu.vector_load %arg7[%swap3A_271] {strides = array<i32>} : memref<16384xf32, #tpu.memory_space<vmem>>, vector<16xf32>,
        tpu.vector_store %arg7[%swap3A_271], %gather3A_109 {strides = array<i32>} : memref<16384xf32, #tpu.memory_space<vmem>>, vector<16xf32>,
        %mul3A_273 = arith.constant 16 : i32
        %mul3A_274 = arith.muli %scan3A_66, %mul3A_273 : i32
        %add3A_275 = arith.constant 4 : i32
        %add3A_276 = arith.addi %mul3A_274, %add3A_275 : i32
        %mul3A_277 = arith.constant 16 : i32
        %mul3A_278 = arith.muli %add3A_276, %mul3A_277 : i32
        %swap3A_279 = arith.index_cast %mul3A_278 : i32 to index
        %swap3A_280 = tpu.vector_load %arg7[%swap3A_279] {strides = array<i32>} : memref<16384xf32, #tpu.memory_space<vmem>>, vector<16xf32>,
        tpu.vector_store %arg7[%swap3A_279], %gather3A_120 {strides = array<i32>} : memref<16384xf32, #tpu.memory_space<vmem>>, vector<16xf32>,
        %mul3A_281 = arith.constant 16 : i32
        %mul3A_282 = arith.muli %scan3A_66, %mul3A_281 : i32
        %add3A_283 = arith.constant 5 : i32
        %add3A_284 = arith.addi %mul3A_282, %add3A_283 : i32
        %mul3A_285 = arith.constant 16 : i32
        %mul3A_286 = arith.muli %add3A_284, %mul3A_285 : i32
        %swap3A_287 = arith.index_cast %mul3A_286 : i32 to index
        %swap3A_288 = tpu.vector_load %arg7[%swap3A_287] {strides = array<i32>} : memref<16384xf32, #tpu.memory_space<vmem>>, vector<16xf32>,
        tpu.vector_store %arg7[%swap3A_287], %gather3A_131 {strides = array<i32>} : memref<16384xf32, #tpu.memory_space<vmem>>, vector<16xf32>,
        %mul3A_289 = arith.constant 16 : i32
        %mul3A_290 = arith.muli %scan3A_66, %mul3A_289 : i32
        %add3A_291 = arith.constant 6 : i32
        %add3A_292 = arith.addi %mul3A_290, %add3A_291 : i32
        %mul3A_293 = arith.constant 16 : i32
        %mul3A_294 = arith.muli %add3A_292, %mul3A_293 : i32
        %swap3A_295 = arith.index_cast %mul3A_294 : i32 to index
        %swap3A_296 = tpu.vector_load %arg7[%swap3A_295] {strides = array<i32>} : memref<16384xf32, #tpu.memory_space<vmem>>, vector<16xf32>,
        tpu.vector_store %arg7[%swap3A_295], %gather3A_142 {strides = array<i32>} : memref<16384xf32, #tpu.memory_space<vmem>>, vector<16xf32>,
        %mul3A_297 = arith.constant 16 : i32
        %mul3A_298 = arith.muli %scan3A_66, %mul3A_297 : i32
        %add3A_299 = arith.constant 7 : i32
        %add3A_300 = arith.addi %mul3A_298, %add3A_299 : i32
        %mul3A_301 = arith.constant 16 : i32
        %mul3A_302 = arith.muli %add3A_300, %mul3A_301 : i32
        %swap3A_303 = arith.index_cast %mul3A_302 : i32 to index
        %swap3A_304 = tpu.vector_load %arg7[%swap3A_303] {strides = array<i32>} : memref<16384xf32, #tpu.memory_space<vmem>>, vector<16xf32>,
        tpu.vector_store %arg7[%swap3A_303], %gather3A_153 {strides = array<i32>} : memref<16384xf32, #tpu.memory_space<vmem>>, vector<16xf32>,
        %mul3A_305 = arith.constant 16 : i32
        %mul3A_306 = arith.muli %scan3A_66, %mul3A_305 : i32
        %add3A_307 = arith.constant 8 : i32
        %add3A_308 = arith.addi %mul3A_306, %add3A_307 : i32
        %mul3A_309 = arith.constant 16 : i32
        %mul3A_310 = arith.muli %add3A_308, %mul3A_309 : i32
        %swap3A_311 = arith.index_cast %mul3A_310 : i32 to index
        %swap3A_312 = tpu.vector_load %arg7[%swap3A_311] {strides = array<i32>} : memref<16384xf32, #tpu.memory_space<vmem>>, vector<16xf32>,
        tpu.vector_store %arg7[%swap3A_311], %gather3A_164 {strides = array<i32>} : memref<16384xf32, #tpu.memory_space<vmem>>, vector<16xf32>,
        %mul3A_313 = arith.constant 16 : i32
        %mul3A_314 = arith.muli %scan3A_66, %mul3A_313 : i32
        %add3A_315 = arith.constant 9 : i32
        %add3A_316 = arith.addi %mul3A_314, %add3A_315 : i32
        %mul3A_317 = arith.constant 16 : i32
        %mul3A_318 = arith.muli %add3A_316, %mul3A_317 : i32
        %swap3A_319 = arith.index_cast %mul3A_318 : i32 to index
        %swap3A_320 = tpu.vector_load %arg7[%swap3A_319] {strides = array<i32>} : memref<16384xf32, #tpu.memory_space<vmem>>, vector<16xf32>,
        tpu.vector_store %arg7[%swap3A_319], %gather3A_175 {strides = array<i32>} : memref<16384xf32, #tpu.memory_space<vmem>>, vector<16xf32>,
        %mul3A_321 = arith.constant 16 : i32
        %mul3A_322 = arith.muli %scan3A_66, %mul3A_321 : i32
        %add3A_323 = arith.constant 10 : i32
        %add3A_324 = arith.addi %mul3A_322, %add3A_323 : i32
        %mul3A_325 = arith.constant 16 : i32
        %mul3A_326 = arith.muli %add3A_324, %mul3A_325 : i32
        %swap3A_327 = arith.index_cast %mul3A_326 : i32 to index
        %swap3A_328 = tpu.vector_load %arg7[%swap3A_327] {strides = array<i32>} : memref<16384xf32, #tpu.memory_space<vmem>>, vector<16xf32>,
        tpu.vector_store %arg7[%swap3A_327], %gather3A_186 {strides = array<i32>} : memref<16384xf32, #tpu.memory_space<vmem>>, vector<16xf32>,
        %mul3A_329 = arith.constant 16 : i32
        %mul3A_330 = arith.muli %scan3A_66, %mul3A_329 : i32
        %add3A_331 = arith.constant 11 : i32
        %add3A_332 = arith.addi %mul3A_330, %add3A_331 : i32
        %mul3A_333 = arith.constant 16 : i32
        %mul3A_334 = arith.muli %add3A_332, %mul3A_333 : i32
        %swap3A_335 = arith.index_cast %mul3A_334 : i32 to index
        %swap3A_336 = tpu.vector_load %arg7[%swap3A_335] {strides = array<i32>} : memref<16384xf32, #tpu.memory_space<vmem>>, vector<16xf32>,
        tpu.vector_store %arg7[%swap3A_335], %gather3A_197 {strides = array<i32>} : memref<16384xf32, #tpu.memory_space<vmem>>, vector<16xf32>,
        %mul3A_337 = arith.constant 16 : i32
        %mul3A_338 = arith.muli %scan3A_66, %mul3A_337 : i32
        %add3A_339 = arith.constant 12 : i32
        %add3A_340 = arith.addi %mul3A_338, %add3A_339 : i32
        %mul3A_341 = arith.constant 16 : i32
        %mul3A_342 = arith.muli %add3A_340, %mul3A_341 : i32
        %swap3A_343 = arith.index_cast %mul3A_342 : i32 to index
        %swap3A_344 = tpu.vector_load %arg7[%swap3A_343] {strides = array<i32>} : memref<16384xf32, #tpu.memory_space<vmem>>, vector<16xf32>,
        tpu.vector_store %arg7[%swap3A_343], %gather3A_208 {strides = array<i32>} : memref<16384xf32, #tpu.memory_space<vmem>>, vector<16xf32>,
        %mul3A_345 = arith.constant 16 : i32
        %mul3A_346 = arith.muli %scan3A_66, %mul3A_345 : i32
        %add3A_347 = arith.constant 13 : i32
        %add3A_348 = arith.addi %mul3A_346, %add3A_347 : i32
        %mul3A_349 = arith.constant 16 : i32
        %mul3A_350 = arith.muli %add3A_348, %mul3A_349 : i32
        %swap3A_351 = arith.index_cast %mul3A_350 : i32 to index
        %swap3A_352 = tpu.vector_load %arg7[%swap3A_351] {strides = array<i32>} : memref<16384xf32, #tpu.memory_space<vmem>>, vector<16xf32>,
        tpu.vector_store %arg7[%swap3A_351], %gather3A_219 {strides = array<i32>} : memref<16384xf32, #tpu.memory_space<vmem>>, vector<16xf32>,
        %mul3A_353 = arith.constant 16 : i32
        %mul3A_354 = arith.muli %scan3A_66, %mul3A_353 : i32
        %add3A_355 = arith.constant 14 : i32
        %add3A_356 = arith.addi %mul3A_354, %add3A_355 : i32
        %mul3A_357 = arith.constant 16 : i32
        %mul3A_358 = arith.muli %add3A_356, %mul3A_357 : i32
        %swap3A_359 = arith.index_cast %mul3A_358 : i32 to index
        %swap3A_360 = tpu.vector_load %arg7[%swap3A_359] {strides = array<i32>} : memref<16384xf32, #tpu.memory_space<vmem>>, vector<16xf32>,
        tpu.vector_store %arg7[%swap3A_359], %gather3A_230 {strides = array<i32>} : memref<16384xf32, #tpu.memory_space<vmem>>, vector<16xf32>,
        %mul3A_361 = arith.constant 16 : i32
        %mul3A_362 = arith.muli %scan3A_66, %mul3A_361 : i32
        %add3A_363 = arith.constant 15 : i32
        %add3A_364 = arith.addi %mul3A_362, %add3A_363 : i32
        %mul3A_365 = arith.constant 16 : i32
        %mul3A_366 = arith.muli %add3A_364, %mul3A_365 : i32
        %swap3A_367 = arith.index_cast %mul3A_366 : i32 to index
        %swap3A_368 = tpu.vector_load %arg7[%swap3A_367] {strides = array<i32>} : memref<16384xf32, #tpu.memory_space<vmem>>, vector<16xf32>,
        tpu.vector_store %arg7[%swap3A_367], %gather3A_241 {strides = array<i32>} : memref<16384xf32, #tpu.memory_space<vmem>>, vector<16xf32>,
      }
      %scan3A_51 = arith.constant 64 : i32
      %mul3A_52 = arith.constant 32 : i32
      %mul3A_53 = arith.muli %mul3A_27, %mul3A_52 : i32
      %add3A_54 = arith.addi %mul3A_53, %add3A : i32
      %mul3A_55 = arith.constant 1024 : i32
      %mul3A_56 = arith.muli %add3A_54, %mul3A_55 : i32
      %mul3A_57 = arith.constant 16 : i32
      %mul3A_58 = arith.muli %mul3A_56, %mul3A_57 : i32
      %dma_start3A_59 = tpu.memref_slice %arg4[%mul3A_58] : memref<41600000xf32, #tpu.memory_space<hbm>> -> memref<16384xf32, #tpu.memory_space<hbm>>
      %dma_start3A_60 = tpu.memref_slice %arg4[%mul3A_58] : memref<41600000xf32, #tpu.memory_space<hbm>> -> memref<16384xf32, #tpu.memory_space<hbm>>
      tpu.enqueue_dma source(%arg7 : memref<16384xf32, #tpu.memory_space<vmem>>) target(%dma_start3A_60 : memref<16384xf32, #tpu.memory_space<hbm>>) target_semaphore(%arg11 : memref<!tpu.dma_semaphore, #tpu.memory_space<semaphore_mem>>)
      %lt3A_61 = arith.constant 79 : i32
      %lt3A_62 = arith.cmpi slt, %add3A_31, %lt3A_61 : i32
      %convert_element_type3A_63 = arith.extui %lt3A_62 : i1 to i32
      %cond3A_64 = arith.constant 0 : i32
      %cond3A_65 = arith.cmpi ne, %convert_element_type3A_63, %cond3A_64 : i32
      scf.if %cond3A_65 {
        %dma_wait3A_66 = arith.constant 0 : i32
        %dma_wait3A_67 = arith.constant 0 : i32
        %dma_wait3A_68 = tpu.memref_slice %arg2[%dma_wait3A_66, %dma_wait3A_67] : memref<16x2600000xf32, #tpu.memory_space<hbm>> -> memref<16x1024xf32, #tpu.memory_space<hbm>>
        %dma_wait3A_69 = arith.constant 0 : i32
        %dma_wait3A_70 = arith.constant 0 : i32
        %dma_wait3A_71 = tpu.memref_slice %arg2[%dma_wait3A_69, %dma_wait3A_70] : memref<16x2600000xf32, #tpu.memory_space<hbm>> -> memref<16x1024xf32, #tpu.memory_space<hbm>>
        tpu.wait_dma2 semaphore(%arg10 : memref<!tpu.dma_semaphore, #tpu.memory_space<semaphore_mem>>) src(%dma_wait3A_71 : memref<16x1024xf32, #tpu.memory_space<hbm>>) dst(%arg6 : memref<16x1024xf32, #tpu.memory_space<vmem>>)
        %add3A_72 = arith.constant 1 : i32
        %add3A_73 = arith.addi %add3A_31, %add3A_72 : i32
        %lt3A_74 = arith.constant 79 : i32
        %lt3A_75 = arith.cmpi slt, %add3A_73, %lt3A_74 : i32
        %convert_element_type3A_76 = arith.extui %lt3A_75 : i1 to i32
        %cond3A_77 = arith.constant 0 : i32
        %cond3A_78 = arith.cmpi ne, %convert_element_type3A_76, %cond3A_77 : i32
        scf.if %cond3A_78 {
          %add3A_98 = arith.constant 1 : i32
          %add3A_99 = arith.addi %add3A_31, %add3A_98 : i32
          %mul3A_100 = arith.constant 32 : i32
          %mul3A_101 = arith.muli %add3A_99, %mul3A_100 : i32
          %add3A_102 = arith.addi %mul3A_101, %add3A : i32
          %mul3A_103 = arith.constant 1024 : i32
          %mul3A_104 = arith.muli %add3A_102, %mul3A_103 : i32
          %dma_start3A_105 = arith.constant 0 : i32
          %dma_start3A_106 = tpu.memref_slice %arg2[%dma_start3A_105, %mul3A_104] : memref<16x2600000xf32, #tpu.memory_space<hbm>> -> memref<16x1024xf32, #tpu.memory_space<hbm>>
          %dma_start3A_107 = arith.constant 0 : i32
          %dma_start3A_108 = tpu.memref_slice %arg2[%dma_start3A_107, %mul3A_104] : memref<16x2600000xf32, #tpu.memory_space<hbm>> -> memref<16x1024xf32, #tpu.memory_space<hbm>>
          tpu.enqueue_dma source(%dma_start3A_108 : memref<16x1024xf32, #tpu.memory_space<hbm>>) target(%arg5 : memref<16x1024xf32, #tpu.memory_space<vmem>>) target_semaphore(%arg9 : memref<!tpu.dma_semaphore, #tpu.memory_space<semaphore_mem>>)
        } else {
        }
        %ge3A_79 = arith.constant 1 : i32
        %ge3A_80 = arith.cmpi sge, %scan3A_25, %ge3A_79 : i32
        %convert_element_type3A_81 = arith.extui %ge3A_80 : i1 to i32
        %cond3A_82 = arith.constant 0 : i32
        %cond3A_83 = arith.cmpi ne, %convert_element_type3A_81, %cond3A_82 : i32
        scf.if %cond3A_83 {
          %dma_wait3A_98 = arith.constant 0 : i32
          %dma_wait3A_99 = tpu.memref_slice %arg4[%dma_wait3A_98] : memref<41600000xf32, #tpu.memory_space<hbm>> -> memref<16384xf32, #tpu.memory_space<hbm>>
          %dma_wait3A_100 = arith.constant 0 : i32
          %dma_wait3A_101 = tpu.memref_slice %arg4[%dma_wait3A_100] : memref<41600000xf32, #tpu.memory_space<hbm>> -> memref<16384xf32, #tpu.memory_space<hbm>>
          tpu.wait_dma2 semaphore(%arg12 : memref<!tpu.dma_semaphore, #tpu.memory_space<semaphore_mem>>) src(%dma_wait3A_101 : memref<16384xf32, #tpu.memory_space<hbm>>) dst(%arg8 : memref<16384xf32, #tpu.memory_space<vmem>>)
        } else {
        }
        %scan3A_84 = arith.constant 0 : i32
        %scan3A_85 = arith.constant 64 : i32
        %scan3A_86 = arith.addi %scan3A_84, %scan3A_85 : i32
        %scan3A_87 = arith.constant 1 : i32
        scf.for %scan3A_98 = %scan3A_84 to %scan3A_86 step %scan3A_87  : i32 {
          %mul3A_99 = arith.constant 0 : i32
          %mul3A_100 = vector.broadcast %mul3A_99 : i32 to vector<16xi32>
          %mul3A_101 = arith.muli %iota3A, %mul3A_100 : vector<16xi32>
          %mul3A_102 = arith.constant 16 : i32
          %mul3A_103 = arith.muli %scan3A_98, %mul3A_102 : i32
          %add3A_104 = vector.broadcast %mul3A_103 : i32 to vector<16xi32>
          %add3A_105 = arith.addi %mul3A_101, %add3A_104 : vector<16xi32>
          %add3A_106 = arith.constant 0 : i32
          %add3A_107 = vector.broadcast %add3A_106 : i32 to vector<16xi32>
          %add3A_108 = arith.addi %add3A_105, %add3A_107 : vector<16xi32>
          %gather3A = tpu.vector_load_idx %arg6[%iota3A, %add3A_108] : memref<16x1024xf32, #tpu.memory_space<vmem>>[vector<16xi32>, vector<16xi32>], vector<16xf32>,
          %mul3A_109 = arith.constant 0 : i32
          %mul3A_110 = vector.broadcast %mul3A_109 : i32 to vector<16xi32>
          %mul3A_111 = arith.muli %iota3A, %mul3A_110 : vector<16xi32>
          %mul3A_112 = arith.constant 16 : i32
          %mul3A_113 = arith.muli %scan3A_98, %mul3A_112 : i32
          %add3A_114 = vector.broadcast %mul3A_113 : i32 to vector<16xi32>
          %add3A_115 = arith.addi %mul3A_111, %add3A_114 : vector<16xi32>
          %add3A_116 = arith.constant 1 : i32
          %add3A_117 = vector.broadcast %add3A_116 : i32 to vector<16xi32>
          %add3A_118 = arith.addi %add3A_115, %add3A_117 : vector<16xi32>
          %gather3A_119 = tpu.vector_load_idx %arg6[%iota3A, %add3A_118] : memref<16x1024xf32, #tpu.memory_space<vmem>>[vector<16xi32>, vector<16xi32>], vector<16xf32>,
          %mul3A_120 = arith.constant 0 : i32
          %mul3A_121 = vector.broadcast %mul3A_120 : i32 to vector<16xi32>
          %mul3A_122 = arith.muli %iota3A, %mul3A_121 : vector<16xi32>
          %mul3A_123 = arith.constant 16 : i32
          %mul3A_124 = arith.muli %scan3A_98, %mul3A_123 : i32
          %add3A_125 = vector.broadcast %mul3A_124 : i32 to vector<16xi32>
          %add3A_126 = arith.addi %mul3A_122, %add3A_125 : vector<16xi32>
          %add3A_127 = arith.constant 2 : i32
          %add3A_128 = vector.broadcast %add3A_127 : i32 to vector<16xi32>
          %add3A_129 = arith.addi %add3A_126, %add3A_128 : vector<16xi32>
          %gather3A_130 = tpu.vector_load_idx %arg6[%iota3A, %add3A_129] : memref<16x1024xf32, #tpu.memory_space<vmem>>[vector<16xi32>, vector<16xi32>], vector<16xf32>,
          %mul3A_131 = arith.constant 0 : i32
          %mul3A_132 = vector.broadcast %mul3A_131 : i32 to vector<16xi32>
          %mul3A_133 = arith.muli %iota3A, %mul3A_132 : vector<16xi32>
          %mul3A_134 = arith.constant 16 : i32
          %mul3A_135 = arith.muli %scan3A_98, %mul3A_134 : i32
          %add3A_136 = vector.broadcast %mul3A_135 : i32 to vector<16xi32>
          %add3A_137 = arith.addi %mul3A_133, %add3A_136 : vector<16xi32>
          %add3A_138 = arith.constant 3 : i32
          %add3A_139 = vector.broadcast %add3A_138 : i32 to vector<16xi32>
          %add3A_140 = arith.addi %add3A_137, %add3A_139 : vector<16xi32>
          %gather3A_141 = tpu.vector_load_idx %arg6[%iota3A, %add3A_140] : memref<16x1024xf32, #tpu.memory_space<vmem>>[vector<16xi32>, vector<16xi32>], vector<16xf32>,
          %mul3A_142 = arith.constant 0 : i32
          %mul3A_143 = vector.broadcast %mul3A_142 : i32 to vector<16xi32>
          %mul3A_144 = arith.muli %iota3A, %mul3A_143 : vector<16xi32>
          %mul3A_145 = arith.constant 16 : i32
          %mul3A_146 = arith.muli %scan3A_98, %mul3A_145 : i32
          %add3A_147 = vector.broadcast %mul3A_146 : i32 to vector<16xi32>
          %add3A_148 = arith.addi %mul3A_144, %add3A_147 : vector<16xi32>
          %add3A_149 = arith.constant 4 : i32
          %add3A_150 = vector.broadcast %add3A_149 : i32 to vector<16xi32>
          %add3A_151 = arith.addi %add3A_148, %add3A_150 : vector<16xi32>
          %gather3A_152 = tpu.vector_load_idx %arg6[%iota3A, %add3A_151] : memref<16x1024xf32, #tpu.memory_space<vmem>>[vector<16xi32>, vector<16xi32>], vector<16xf32>,
          %mul3A_153 = arith.constant 0 : i32
          %mul3A_154 = vector.broadcast %mul3A_153 : i32 to vector<16xi32>
          %mul3A_155 = arith.muli %iota3A, %mul3A_154 : vector<16xi32>
          %mul3A_156 = arith.constant 16 : i32
          %mul3A_157 = arith.muli %scan3A_98, %mul3A_156 : i32
          %add3A_158 = vector.broadcast %mul3A_157 : i32 to vector<16xi32>
          %add3A_159 = arith.addi %mul3A_155, %add3A_158 : vector<16xi32>
          %add3A_160 = arith.constant 5 : i32
          %add3A_161 = vector.broadcast %add3A_160 : i32 to vector<16xi32>
          %add3A_162 = arith.addi %add3A_159, %add3A_161 : vector<16xi32>
          %gather3A_163 = tpu.vector_load_idx %arg6[%iota3A, %add3A_162] : memref<16x1024xf32, #tpu.memory_space<vmem>>[vector<16xi32>, vector<16xi32>], vector<16xf32>,
          %mul3A_164 = arith.constant 0 : i32
          %mul3A_165 = vector.broadcast %mul3A_164 : i32 to vector<16xi32>
          %mul3A_166 = arith.muli %iota3A, %mul3A_165 : vector<16xi32>
          %mul3A_167 = arith.constant 16 : i32
          %mul3A_168 = arith.muli %scan3A_98, %mul3A_167 : i32
          %add3A_169 = vector.broadcast %mul3A_168 : i32 to vector<16xi32>
          %add3A_170 = arith.addi %mul3A_166, %add3A_169 : vector<16xi32>
          %add3A_171 = arith.constant 6 : i32
          %add3A_172 = vector.broadcast %add3A_171 : i32 to vector<16xi32>
          %add3A_173 = arith.addi %add3A_170, %add3A_172 : vector<16xi32>
          %gather3A_174 = tpu.vector_load_idx %arg6[%iota3A, %add3A_173] : memref<16x1024xf32, #tpu.memory_space<vmem>>[vector<16xi32>, vector<16xi32>], vector<16xf32>,
          %mul3A_175 = arith.constant 0 : i32
          %mul3A_176 = vector.broadcast %mul3A_175 : i32 to vector<16xi32>
          %mul3A_177 = arith.muli %iota3A, %mul3A_176 : vector<16xi32>
          %mul3A_178 = arith.constant 16 : i32
          %mul3A_179 = arith.muli %scan3A_98, %mul3A_178 : i32
          %add3A_180 = vector.broadcast %mul3A_179 : i32 to vector<16xi32>
          %add3A_181 = arith.addi %mul3A_177, %add3A_180 : vector<16xi32>
          %add3A_182 = arith.constant 7 : i32
          %add3A_183 = vector.broadcast %add3A_182 : i32 to vector<16xi32>
          %add3A_184 = arith.addi %add3A_181, %add3A_183 : vector<16xi32>
          %gather3A_185 = tpu.vector_load_idx %arg6[%iota3A, %add3A_184] : memref<16x1024xf32, #tpu.memory_space<vmem>>[vector<16xi32>, vector<16xi32>], vector<16xf32>,
          %mul3A_186 = arith.constant 0 : i32
          %mul3A_187 = vector.broadcast %mul3A_186 : i32 to vector<16xi32>
          %mul3A_188 = arith.muli %iota3A, %mul3A_187 : vector<16xi32>
          %mul3A_189 = arith.constant 16 : i32
          %mul3A_190 = arith.muli %scan3A_98, %mul3A_189 : i32
          %add3A_191 = vector.broadcast %mul3A_190 : i32 to vector<16xi32>
          %add3A_192 = arith.addi %mul3A_188, %add3A_191 : vector<16xi32>
          %add3A_193 = arith.constant 8 : i32
          %add3A_194 = vector.broadcast %add3A_193 : i32 to vector<16xi32>
          %add3A_195 = arith.addi %add3A_192, %add3A_194 : vector<16xi32>
          %gather3A_196 = tpu.vector_load_idx %arg6[%iota3A, %add3A_195] : memref<16x1024xf32, #tpu.memory_space<vmem>>[vector<16xi32>, vector<16xi32>], vector<16xf32>,
          %mul3A_197 = arith.constant 0 : i32
          %mul3A_198 = vector.broadcast %mul3A_197 : i32 to vector<16xi32>
          %mul3A_199 = arith.muli %iota3A, %mul3A_198 : vector<16xi32>
          %mul3A_200 = arith.constant 16 : i32
          %mul3A_201 = arith.muli %scan3A_98, %mul3A_200 : i32
          %add3A_202 = vector.broadcast %mul3A_201 : i32 to vector<16xi32>
          %add3A_203 = arith.addi %mul3A_199, %add3A_202 : vector<16xi32>
          %add3A_204 = arith.constant 9 : i32
          %add3A_205 = vector.broadcast %add3A_204 : i32 to vector<16xi32>
          %add3A_206 = arith.addi %add3A_203, %add3A_205 : vector<16xi32>
          %gather3A_207 = tpu.vector_load_idx %arg6[%iota3A, %add3A_206] : memref<16x1024xf32, #tpu.memory_space<vmem>>[vector<16xi32>, vector<16xi32>], vector<16xf32>,
          %mul3A_208 = arith.constant 0 : i32
          %mul3A_209 = vector.broadcast %mul3A_208 : i32 to vector<16xi32>
          %mul3A_210 = arith.muli %iota3A, %mul3A_209 : vector<16xi32>
          %mul3A_211 = arith.constant 16 : i32
          %mul3A_212 = arith.muli %scan3A_98, %mul3A_211 : i32
          %add3A_213 = vector.broadcast %mul3A_212 : i32 to vector<16xi32>
          %add3A_214 = arith.addi %mul3A_210, %add3A_213 : vector<16xi32>
          %add3A_215 = arith.constant 10 : i32
          %add3A_216 = vector.broadcast %add3A_215 : i32 to vector<16xi32>
          %add3A_217 = arith.addi %add3A_214, %add3A_216 : vector<16xi32>
          %gather3A_218 = tpu.vector_load_idx %arg6[%iota3A, %add3A_217] : memref<16x1024xf32, #tpu.memory_space<vmem>>[vector<16xi32>, vector<16xi32>], vector<16xf32>,
          %mul3A_219 = arith.constant 0 : i32
          %mul3A_220 = vector.broadcast %mul3A_219 : i32 to vector<16xi32>
          %mul3A_221 = arith.muli %iota3A, %mul3A_220 : vector<16xi32>
          %mul3A_222 = arith.constant 16 : i32
          %mul3A_223 = arith.muli %scan3A_98, %mul3A_222 : i32
          %add3A_224 = vector.broadcast %mul3A_223 : i32 to vector<16xi32>
          %add3A_225 = arith.addi %mul3A_221, %add3A_224 : vector<16xi32>
          %add3A_226 = arith.constant 11 : i32
          %add3A_227 = vector.broadcast %add3A_226 : i32 to vector<16xi32>
          %add3A_228 = arith.addi %add3A_225, %add3A_227 : vector<16xi32>
          %gather3A_229 = tpu.vector_load_idx %arg6[%iota3A, %add3A_228] : memref<16x1024xf32, #tpu.memory_space<vmem>>[vector<16xi32>, vector<16xi32>], vector<16xf32>,
          %mul3A_230 = arith.constant 0 : i32
          %mul3A_231 = vector.broadcast %mul3A_230 : i32 to vector<16xi32>
          %mul3A_232 = arith.muli %iota3A, %mul3A_231 : vector<16xi32>
          %mul3A_233 = arith.constant 16 : i32
          %mul3A_234 = arith.muli %scan3A_98, %mul3A_233 : i32
          %add3A_235 = vector.broadcast %mul3A_234 : i32 to vector<16xi32>
          %add3A_236 = arith.addi %mul3A_232, %add3A_235 : vector<16xi32>
          %add3A_237 = arith.constant 12 : i32
          %add3A_238 = vector.broadcast %add3A_237 : i32 to vector<16xi32>
          %add3A_239 = arith.addi %add3A_236, %add3A_238 : vector<16xi32>
          %gather3A_240 = tpu.vector_load_idx %arg6[%iota3A, %add3A_239] : memref<16x1024xf32, #tpu.memory_space<vmem>>[vector<16xi32>, vector<16xi32>], vector<16xf32>,
          %mul3A_241 = arith.constant 0 : i32
          %mul3A_242 = vector.broadcast %mul3A_241 : i32 to vector<16xi32>
          %mul3A_243 = arith.muli %iota3A, %mul3A_242 : vector<16xi32>
          %mul3A_244 = arith.constant 16 : i32
          %mul3A_245 = arith.muli %scan3A_98, %mul3A_244 : i32
          %add3A_246 = vector.broadcast %mul3A_245 : i32 to vector<16xi32>
          %add3A_247 = arith.addi %mul3A_243, %add3A_246 : vector<16xi32>
          %add3A_248 = arith.constant 13 : i32
          %add3A_249 = vector.broadcast %add3A_248 : i32 to vector<16xi32>
          %add3A_250 = arith.addi %add3A_247, %add3A_249 : vector<16xi32>
          %gather3A_251 = tpu.vector_load_idx %arg6[%iota3A, %add3A_250] : memref<16x1024xf32, #tpu.memory_space<vmem>>[vector<16xi32>, vector<16xi32>], vector<16xf32>,
          %mul3A_252 = arith.constant 0 : i32
          %mul3A_253 = vector.broadcast %mul3A_252 : i32 to vector<16xi32>
          %mul3A_254 = arith.muli %iota3A, %mul3A_253 : vector<16xi32>
          %mul3A_255 = arith.constant 16 : i32
          %mul3A_256 = arith.muli %scan3A_98, %mul3A_255 : i32
          %add3A_257 = vector.broadcast %mul3A_256 : i32 to vector<16xi32>
          %add3A_258 = arith.addi %mul3A_254, %add3A_257 : vector<16xi32>
          %add3A_259 = arith.constant 14 : i32
          %add3A_260 = vector.broadcast %add3A_259 : i32 to vector<16xi32>
          %add3A_261 = arith.addi %add3A_258, %add3A_260 : vector<16xi32>
          %gather3A_262 = tpu.vector_load_idx %arg6[%iota3A, %add3A_261] : memref<16x1024xf32, #tpu.memory_space<vmem>>[vector<16xi32>, vector<16xi32>], vector<16xf32>,
          %mul3A_263 = arith.constant 0 : i32
          %mul3A_264 = vector.broadcast %mul3A_263 : i32 to vector<16xi32>
          %mul3A_265 = arith.muli %iota3A, %mul3A_264 : vector<16xi32>
          %mul3A_266 = arith.constant 16 : i32
          %mul3A_267 = arith.muli %scan3A_98, %mul3A_266 : i32
          %add3A_268 = vector.broadcast %mul3A_267 : i32 to vector<16xi32>
          %add3A_269 = arith.addi %mul3A_265, %add3A_268 : vector<16xi32>
          %add3A_270 = arith.constant 15 : i32
          %add3A_271 = vector.broadcast %add3A_270 : i32 to vector<16xi32>
          %add3A_272 = arith.addi %add3A_269, %add3A_271 : vector<16xi32>
          %gather3A_273 = tpu.vector_load_idx %arg6[%iota3A, %add3A_272] : memref<16x1024xf32, #tpu.memory_space<vmem>>[vector<16xi32>, vector<16xi32>], vector<16xf32>,
          %mul3A_274 = arith.constant 16 : i32
          %mul3A_275 = arith.muli %scan3A_98, %mul3A_274 : i32
          %add3A_276 = arith.constant 0 : i32
          %add3A_277 = arith.addi %mul3A_275, %add3A_276 : i32
          %mul3A_278 = arith.constant 16 : i32
          %mul3A_279 = arith.muli %add3A_277, %mul3A_278 : i32
          %swap3A = arith.index_cast %mul3A_279 : i32 to index
          %swap3A_280 = tpu.vector_load %arg8[%swap3A] {strides = array<i32>} : memref<16384xf32, #tpu.memory_space<vmem>>, vector<16xf32>,
          tpu.vector_store %arg8[%swap3A], %gather3A {strides = array<i32>} : memref<16384xf32, #tpu.memory_space<vmem>>, vector<16xf32>,
          %mul3A_281 = arith.constant 16 : i32
          %mul3A_282 = arith.muli %scan3A_98, %mul3A_281 : i32
          %add3A_283 = arith.constant 1 : i32
          %add3A_284 = arith.addi %mul3A_282, %add3A_283 : i32
          %mul3A_285 = arith.constant 16 : i32
          %mul3A_286 = arith.muli %add3A_284, %mul3A_285 : i32
          %swap3A_287 = arith.index_cast %mul3A_286 : i32 to index
          %swap3A_288 = tpu.vector_load %arg8[%swap3A_287] {strides = array<i32>} : memref<16384xf32, #tpu.memory_space<vmem>>, vector<16xf32>,
          tpu.vector_store %arg8[%swap3A_287], %gather3A_119 {strides = array<i32>} : memref<16384xf32, #tpu.memory_space<vmem>>, vector<16xf32>,
          %mul3A_289 = arith.constant 16 : i32
          %mul3A_290 = arith.muli %scan3A_98, %mul3A_289 : i32
          %add3A_291 = arith.constant 2 : i32
          %add3A_292 = arith.addi %mul3A_290, %add3A_291 : i32
          %mul3A_293 = arith.constant 16 : i32
          %mul3A_294 = arith.muli %add3A_292, %mul3A_293 : i32
          %swap3A_295 = arith.index_cast %mul3A_294 : i32 to index
          %swap3A_296 = tpu.vector_load %arg8[%swap3A_295] {strides = array<i32>} : memref<16384xf32, #tpu.memory_space<vmem>>, vector<16xf32>,
          tpu.vector_store %arg8[%swap3A_295], %gather3A_130 {strides = array<i32>} : memref<16384xf32, #tpu.memory_space<vmem>>, vector<16xf32>,
          %mul3A_297 = arith.constant 16 : i32
          %mul3A_298 = arith.muli %scan3A_98, %mul3A_297 : i32
          %add3A_299 = arith.constant 3 : i32
          %add3A_300 = arith.addi %mul3A_298, %add3A_299 : i32
          %mul3A_301 = arith.constant 16 : i32
          %mul3A_302 = arith.muli %add3A_300, %mul3A_301 : i32
          %swap3A_303 = arith.index_cast %mul3A_302 : i32 to index
          %swap3A_304 = tpu.vector_load %arg8[%swap3A_303] {strides = array<i32>} : memref<16384xf32, #tpu.memory_space<vmem>>, vector<16xf32>,
          tpu.vector_store %arg8[%swap3A_303], %gather3A_141 {strides = array<i32>} : memref<16384xf32, #tpu.memory_space<vmem>>, vector<16xf32>,
          %mul3A_305 = arith.constant 16 : i32
          %mul3A_306 = arith.muli %scan3A_98, %mul3A_305 : i32
          %add3A_307 = arith.constant 4 : i32
          %add3A_308 = arith.addi %mul3A_306, %add3A_307 : i32
          %mul3A_309 = arith.constant 16 : i32
          %mul3A_310 = arith.muli %add3A_308, %mul3A_309 : i32
          %swap3A_311 = arith.index_cast %mul3A_310 : i32 to index
          %swap3A_312 = tpu.vector_load %arg8[%swap3A_311] {strides = array<i32>} : memref<16384xf32, #tpu.memory_space<vmem>>, vector<16xf32>,
          tpu.vector_store %arg8[%swap3A_311], %gather3A_152 {strides = array<i32>} : memref<16384xf32, #tpu.memory_space<vmem>>, vector<16xf32>,
          %mul3A_313 = arith.constant 16 : i32
          %mul3A_314 = arith.muli %scan3A_98, %mul3A_313 : i32
          %add3A_315 = arith.constant 5 : i32
          %add3A_316 = arith.addi %mul3A_314, %add3A_315 : i32
          %mul3A_317 = arith.constant 16 : i32
          %mul3A_318 = arith.muli %add3A_316, %mul3A_317 : i32
          %swap3A_319 = arith.index_cast %mul3A_318 : i32 to index
          %swap3A_320 = tpu.vector_load %arg8[%swap3A_319] {strides = array<i32>} : memref<16384xf32, #tpu.memory_space<vmem>>, vector<16xf32>,
          tpu.vector_store %arg8[%swap3A_319], %gather3A_163 {strides = array<i32>} : memref<16384xf32, #tpu.memory_space<vmem>>, vector<16xf32>,
          %mul3A_321 = arith.constant 16 : i32
          %mul3A_322 = arith.muli %scan3A_98, %mul3A_321 : i32
          %add3A_323 = arith.constant 6 : i32
          %add3A_324 = arith.addi %mul3A_322, %add3A_323 : i32
          %mul3A_325 = arith.constant 16 : i32
          %mul3A_326 = arith.muli %add3A_324, %mul3A_325 : i32
          %swap3A_327 = arith.index_cast %mul3A_326 : i32 to index
          %swap3A_328 = tpu.vector_load %arg8[%swap3A_327] {strides = array<i32>} : memref<16384xf32, #tpu.memory_space<vmem>>, vector<16xf32>,
          tpu.vector_store %arg8[%swap3A_327], %gather3A_174 {strides = array<i32>} : memref<16384xf32, #tpu.memory_space<vmem>>, vector<16xf32>,
          %mul3A_329 = arith.constant 16 : i32
          %mul3A_330 = arith.muli %scan3A_98, %mul3A_329 : i32
          %add3A_331 = arith.constant 7 : i32
          %add3A_332 = arith.addi %mul3A_330, %add3A_331 : i32
          %mul3A_333 = arith.constant 16 : i32
          %mul3A_334 = arith.muli %add3A_332, %mul3A_333 : i32
          %swap3A_335 = arith.index_cast %mul3A_334 : i32 to index
          %swap3A_336 = tpu.vector_load %arg8[%swap3A_335] {strides = array<i32>} : memref<16384xf32, #tpu.memory_space<vmem>>, vector<16xf32>,
          tpu.vector_store %arg8[%swap3A_335], %gather3A_185 {strides = array<i32>} : memref<16384xf32, #tpu.memory_space<vmem>>, vector<16xf32>,
          %mul3A_337 = arith.constant 16 : i32
          %mul3A_338 = arith.muli %scan3A_98, %mul3A_337 : i32
          %add3A_339 = arith.constant 8 : i32
          %add3A_340 = arith.addi %mul3A_338, %add3A_339 : i32
          %mul3A_341 = arith.constant 16 : i32
          %mul3A_342 = arith.muli %add3A_340, %mul3A_341 : i32
          %swap3A_343 = arith.index_cast %mul3A_342 : i32 to index
          %swap3A_344 = tpu.vector_load %arg8[%swap3A_343] {strides = array<i32>} : memref<16384xf32, #tpu.memory_space<vmem>>, vector<16xf32>,
          tpu.vector_store %arg8[%swap3A_343], %gather3A_196 {strides = array<i32>} : memref<16384xf32, #tpu.memory_space<vmem>>, vector<16xf32>,
          %mul3A_345 = arith.constant 16 : i32
          %mul3A_346 = arith.muli %scan3A_98, %mul3A_345 : i32
          %add3A_347 = arith.constant 9 : i32
          %add3A_348 = arith.addi %mul3A_346, %add3A_347 : i32
          %mul3A_349 = arith.constant 16 : i32
          %mul3A_350 = arith.muli %add3A_348, %mul3A_349 : i32
          %swap3A_351 = arith.index_cast %mul3A_350 : i32 to index
          %swap3A_352 = tpu.vector_load %arg8[%swap3A_351] {strides = array<i32>} : memref<16384xf32, #tpu.memory_space<vmem>>, vector<16xf32>,
          tpu.vector_store %arg8[%swap3A_351], %gather3A_207 {strides = array<i32>} : memref<16384xf32, #tpu.memory_space<vmem>>, vector<16xf32>,
          %mul3A_353 = arith.constant 16 : i32
          %mul3A_354 = arith.muli %scan3A_98, %mul3A_353 : i32
          %add3A_355 = arith.constant 10 : i32
          %add3A_356 = arith.addi %mul3A_354, %add3A_355 : i32
          %mul3A_357 = arith.constant 16 : i32
          %mul3A_358 = arith.muli %add3A_356, %mul3A_357 : i32
          %swap3A_359 = arith.index_cast %mul3A_358 : i32 to index
          %swap3A_360 = tpu.vector_load %arg8[%swap3A_359] {strides = array<i32>} : memref<16384xf32, #tpu.memory_space<vmem>>, vector<16xf32>,
          tpu.vector_store %arg8[%swap3A_359], %gather3A_218 {strides = array<i32>} : memref<16384xf32, #tpu.memory_space<vmem>>, vector<16xf32>,
          %mul3A_361 = arith.constant 16 : i32
          %mul3A_362 = arith.muli %scan3A_98, %mul3A_361 : i32
          %add3A_363 = arith.constant 11 : i32
          %add3A_364 = arith.addi %mul3A_362, %add3A_363 : i32
          %mul3A_365 = arith.constant 16 : i32
          %mul3A_366 = arith.muli %add3A_364, %mul3A_365 : i32
          %swap3A_367 = arith.index_cast %mul3A_366 : i32 to index
          %swap3A_368 = tpu.vector_load %arg8[%swap3A_367] {strides = array<i32>} : memref<16384xf32, #tpu.memory_space<vmem>>, vector<16xf32>,
          tpu.vector_store %arg8[%swap3A_367], %gather3A_229 {strides = array<i32>} : memref<16384xf32, #tpu.memory_space<vmem>>, vector<16xf32>,
          %mul3A_369 = arith.constant 16 : i32
          %mul3A_370 = arith.muli %scan3A_98, %mul3A_369 : i32
          %add3A_371 = arith.constant 12 : i32
          %add3A_372 = arith.addi %mul3A_370, %add3A_371 : i32
          %mul3A_373 = arith.constant 16 : i32
          %mul3A_374 = arith.muli %add3A_372, %mul3A_373 : i32
          %swap3A_375 = arith.index_cast %mul3A_374 : i32 to index
          %swap3A_376 = tpu.vector_load %arg8[%swap3A_375] {strides = array<i32>} : memref<16384xf32, #tpu.memory_space<vmem>>, vector<16xf32>,
          tpu.vector_store %arg8[%swap3A_375], %gather3A_240 {strides = array<i32>} : memref<16384xf32, #tpu.memory_space<vmem>>, vector<16xf32>,
          %mul3A_377 = arith.constant 16 : i32
          %mul3A_378 = arith.muli %scan3A_98, %mul3A_377 : i32
          %add3A_379 = arith.constant 13 : i32
          %add3A_380 = arith.addi %mul3A_378, %add3A_379 : i32
          %mul3A_381 = arith.constant 16 : i32
          %mul3A_382 = arith.muli %add3A_380, %mul3A_381 : i32
          %swap3A_383 = arith.index_cast %mul3A_382 : i32 to index
          %swap3A_384 = tpu.vector_load %arg8[%swap3A_383] {strides = array<i32>} : memref<16384xf32, #tpu.memory_space<vmem>>, vector<16xf32>,
          tpu.vector_store %arg8[%swap3A_383], %gather3A_251 {strides = array<i32>} : memref<16384xf32, #tpu.memory_space<vmem>>, vector<16xf32>,
          %mul3A_385 = arith.constant 16 : i32
          %mul3A_386 = arith.muli %scan3A_98, %mul3A_385 : i32
          %add3A_387 = arith.constant 14 : i32
          %add3A_388 = arith.addi %mul3A_386, %add3A_387 : i32
          %mul3A_389 = arith.constant 16 : i32
          %mul3A_390 = arith.muli %add3A_388, %mul3A_389 : i32
          %swap3A_391 = arith.index_cast %mul3A_390 : i32 to index
          %swap3A_392 = tpu.vector_load %arg8[%swap3A_391] {strides = array<i32>} : memref<16384xf32, #tpu.memory_space<vmem>>, vector<16xf32>,
          tpu.vector_store %arg8[%swap3A_391], %gather3A_262 {strides = array<i32>} : memref<16384xf32, #tpu.memory_space<vmem>>, vector<16xf32>,
          %mul3A_393 = arith.constant 16 : i32
          %mul3A_394 = arith.muli %scan3A_98, %mul3A_393 : i32
          %add3A_395 = arith.constant 15 : i32
          %add3A_396 = arith.addi %mul3A_394, %add3A_395 : i32
          %mul3A_397 = arith.constant 16 : i32
          %mul3A_398 = arith.muli %add3A_396, %mul3A_397 : i32
          %swap3A_399 = arith.index_cast %mul3A_398 : i32 to index
          %swap3A_400 = tpu.vector_load %arg8[%swap3A_399] {strides = array<i32>} : memref<16384xf32, #tpu.memory_space<vmem>>, vector<16xf32>,
          tpu.vector_store %arg8[%swap3A_399], %gather3A_273 {strides = array<i32>} : memref<16384xf32, #tpu.memory_space<vmem>>, vector<16xf32>,
        }
        %scan3A_88 = arith.constant 64 : i32
        %mul3A_89 = arith.constant 32 : i32
        %mul3A_90 = arith.muli %add3A_31, %mul3A_89 : i32
        %add3A_91 = arith.addi %mul3A_90, %add3A : i32
        %mul3A_92 = arith.constant 1024 : i32
        %mul3A_93 = arith.muli %add3A_91, %mul3A_92 : i32
        %mul3A_94 = arith.constant 16 : i32
        %mul3A_95 = arith.muli %mul3A_93, %mul3A_94 : i32
        %dma_start3A_96 = tpu.memref_slice %arg4[%mul3A_95] : memref<41600000xf32, #tpu.memory_space<hbm>> -> memref<16384xf32, #tpu.memory_space<hbm>>
        %dma_start3A_97 = tpu.memref_slice %arg4[%mul3A_95] : memref<41600000xf32, #tpu.memory_space<hbm>> -> memref<16384xf32, #tpu.memory_space<hbm>>
        tpu.enqueue_dma source(%arg8 : memref<16384xf32, #tpu.memory_space<vmem>>) target(%dma_start3A_97 : memref<16384xf32, #tpu.memory_space<hbm>>) target_semaphore(%arg12 : memref<!tpu.dma_semaphore, #tpu.memory_space<semaphore_mem>>)
      } else {
      }
    }
    %scan3A_11 = arith.constant 40 : i32
    %dma_wait3A = arith.constant 0 : i32
    %dma_wait3A_12 = tpu.memref_slice %arg4[%dma_wait3A] : memref<41600000xf32, #tpu.memory_space<hbm>> -> memref<16384xf32, #tpu.memory_space<hbm>>
    %dma_wait3A_13 = arith.constant 0 : i32
    %dma_wait3A_14 = tpu.memref_slice %arg4[%dma_wait3A_13] : memref<41600000xf32, #tpu.memory_space<hbm>> -> memref<16384xf32, #tpu.memory_space<hbm>>
    tpu.wait_dma2 semaphore(%arg11 : memref<!tpu.dma_semaphore, #tpu.memory_space<semaphore_mem>>) src(%dma_wait3A_14 : memref<16384xf32, #tpu.memory_space<hbm>>) dst(%arg7 : memref<16384xf32, #tpu.memory_space<vmem>>)
    %dma_wait3A_15 = arith.constant 0 : i32
    %dma_wait3A_16 = tpu.memref_slice %arg4[%dma_wait3A_15] : memref<41600000xf32, #tpu.memory_space<hbm>> -> memref<16384xf32, #tpu.memory_space<hbm>>
    %dma_wait3A_17 = arith.constant 0 : i32
    %dma_wait3A_18 = tpu.memref_slice %arg4[%dma_wait3A_17] : memref<41600000xf32, #tpu.memory_space<hbm>> -> memref<16384xf32, #tpu.memory_space<hbm>>
    tpu.wait_dma2 semaphore(%arg12 : memref<!tpu.dma_semaphore, #tpu.memory_space<semaphore_mem>>) src(%dma_wait3A_18 : memref<16384xf32, #tpu.memory_space<hbm>>) dst(%arg8 : memref<16384xf32, #tpu.memory_space<vmem>>)
    %lt3A = arith.constant 11 : i32
    %lt3A_19 = arith.cmpi slt, %add3A, %lt3A : i32
    %convert_element_type3A = arith.extui %lt3A_19 : i1 to i32
    %cond3A = arith.constant 0 : i32
    %cond3A_20 = arith.cmpi ne, %convert_element_type3A, %cond3A : i32
    scf.if %cond3A_20 {
      %add3A_25 = arith.constant 2528 : i32
      %add3A_26 = arith.addi %add3A_25, %add3A : i32
      %mul3A_27 = arith.constant 1024 : i32
      %mul3A_28 = arith.muli %add3A_26, %mul3A_27 : i32
      %dma_start3A_29 = arith.constant 0 : i32
      %dma_start3A_30 = tpu.memref_slice %arg2[%dma_start3A_29, %mul3A_28] : memref<16x2600000xf32, #tpu.memory_space<hbm>> -> memref<16x1024xf32, #tpu.memory_space<hbm>>
      %dma_start3A_31 = arith.constant 0 : i32
      %dma_start3A_32 = tpu.memref_slice %arg2[%dma_start3A_31, %mul3A_28] : memref<16x2600000xf32, #tpu.memory_space<hbm>> -> memref<16x1024xf32, #tpu.memory_space<hbm>>
      tpu.enqueue_dma source(%dma_start3A_32 : memref<16x1024xf32, #tpu.memory_space<hbm>>) target(%arg5 : memref<16x1024xf32, #tpu.memory_space<vmem>>) target_semaphore(%arg9 : memref<!tpu.dma_semaphore, #tpu.memory_space<semaphore_mem>>)
      %dma_wait3A_33 = arith.constant 0 : i32
      %dma_wait3A_34 = arith.constant 0 : i32
      %dma_wait3A_35 = tpu.memref_slice %arg2[%dma_wait3A_33, %dma_wait3A_34] : memref<16x2600000xf32, #tpu.memory_space<hbm>> -> memref<16x1024xf32, #tpu.memory_space<hbm>>
      %dma_wait3A_36 = arith.constant 0 : i32
      %dma_wait3A_37 = arith.constant 0 : i32
      %dma_wait3A_38 = tpu.memref_slice %arg2[%dma_wait3A_36, %dma_wait3A_37] : memref<16x2600000xf32, #tpu.memory_space<hbm>> -> memref<16x1024xf32, #tpu.memory_space<hbm>>
      tpu.wait_dma2 semaphore(%arg9 : memref<!tpu.dma_semaphore, #tpu.memory_space<semaphore_mem>>) src(%dma_wait3A_38 : memref<16x1024xf32, #tpu.memory_space<hbm>>) dst(%arg5 : memref<16x1024xf32, #tpu.memory_space<vmem>>)
      %scan3A_39 = arith.constant 0 : i32
      %scan3A_40 = arith.constant 64 : i32
      %scan3A_41 = arith.addi %scan3A_39, %scan3A_40 : i32
      %scan3A_42 = arith.constant 1 : i32
      scf.for %scan3A_46 = %scan3A_39 to %scan3A_41 step %scan3A_42  : i32 {
        %mul3A_47 = arith.constant 0 : i32
        %mul3A_48 = vector.broadcast %mul3A_47 : i32 to vector<16xi32>
        %mul3A_49 = arith.muli %iota3A, %mul3A_48 : vector<16xi32>
        %mul3A_50 = arith.constant 16 : i32
        %mul3A_51 = arith.muli %scan3A_46, %mul3A_50 : i32
        %add3A_52 = vector.broadcast %mul3A_51 : i32 to vector<16xi32>
        %add3A_53 = arith.addi %mul3A_49, %add3A_52 : vector<16xi32>
        %add3A_54 = arith.constant 0 : i32
        %add3A_55 = vector.broadcast %add3A_54 : i32 to vector<16xi32>
        %add3A_56 = arith.addi %add3A_53, %add3A_55 : vector<16xi32>
        %gather3A = tpu.vector_load_idx %arg5[%iota3A, %add3A_56] : memref<16x1024xf32, #tpu.memory_space<vmem>>[vector<16xi32>, vector<16xi32>], vector<16xf32>,
        %mul3A_57 = arith.constant 0 : i32
        %mul3A_58 = vector.broadcast %mul3A_57 : i32 to vector<16xi32>
        %mul3A_59 = arith.muli %iota3A, %mul3A_58 : vector<16xi32>
        %mul3A_60 = arith.constant 16 : i32
        %mul3A_61 = arith.muli %scan3A_46, %mul3A_60 : i32
        %add3A_62 = vector.broadcast %mul3A_61 : i32 to vector<16xi32>
        %add3A_63 = arith.addi %mul3A_59, %add3A_62 : vector<16xi32>
        %add3A_64 = arith.constant 1 : i32
        %add3A_65 = vector.broadcast %add3A_64 : i32 to vector<16xi32>
        %add3A_66 = arith.addi %add3A_63, %add3A_65 : vector<16xi32>
        %gather3A_67 = tpu.vector_load_idx %arg5[%iota3A, %add3A_66] : memref<16x1024xf32, #tpu.memory_space<vmem>>[vector<16xi32>, vector<16xi32>], vector<16xf32>,
        %mul3A_68 = arith.constant 0 : i32
        %mul3A_69 = vector.broadcast %mul3A_68 : i32 to vector<16xi32>
        %mul3A_70 = arith.muli %iota3A, %mul3A_69 : vector<16xi32>
        %mul3A_71 = arith.constant 16 : i32
        %mul3A_72 = arith.muli %scan3A_46, %mul3A_71 : i32
        %add3A_73 = vector.broadcast %mul3A_72 : i32 to vector<16xi32>
        %add3A_74 = arith.addi %mul3A_70, %add3A_73 : vector<16xi32>
        %add3A_75 = arith.constant 2 : i32
        %add3A_76 = vector.broadcast %add3A_75 : i32 to vector<16xi32>
        %add3A_77 = arith.addi %add3A_74, %add3A_76 : vector<16xi32>
        %gather3A_78 = tpu.vector_load_idx %arg5[%iota3A, %add3A_77] : memref<16x1024xf32, #tpu.memory_space<vmem>>[vector<16xi32>, vector<16xi32>], vector<16xf32>,
        %mul3A_79 = arith.constant 0 : i32
        %mul3A_80 = vector.broadcast %mul3A_79 : i32 to vector<16xi32>
        %mul3A_81 = arith.muli %iota3A, %mul3A_80 : vector<16xi32>
        %mul3A_82 = arith.constant 16 : i32
        %mul3A_83 = arith.muli %scan3A_46, %mul3A_82 : i32
        %add3A_84 = vector.broadcast %mul3A_83 : i32 to vector<16xi32>
        %add3A_85 = arith.addi %mul3A_81, %add3A_84 : vector<16xi32>
        %add3A_86 = arith.constant 3 : i32
        %add3A_87 = vector.broadcast %add3A_86 : i32 to vector<16xi32>
        %add3A_88 = arith.addi %add3A_85, %add3A_87 : vector<16xi32>
        %gather3A_89 = tpu.vector_load_idx %arg5[%iota3A, %add3A_88] : memref<16x1024xf32, #tpu.memory_space<vmem>>[vector<16xi32>, vector<16xi32>], vector<16xf32>,
        %mul3A_90 = arith.constant 0 : i32
        %mul3A_91 = vector.broadcast %mul3A_90 : i32 to vector<16xi32>
        %mul3A_92 = arith.muli %iota3A, %mul3A_91 : vector<16xi32>
        %mul3A_93 = arith.constant 16 : i32
        %mul3A_94 = arith.muli %scan3A_46, %mul3A_93 : i32
        %add3A_95 = vector.broadcast %mul3A_94 : i32 to vector<16xi32>
        %add3A_96 = arith.addi %mul3A_92, %add3A_95 : vector<16xi32>
        %add3A_97 = arith.constant 4 : i32
        %add3A_98 = vector.broadcast %add3A_97 : i32 to vector<16xi32>
        %add3A_99 = arith.addi %add3A_96, %add3A_98 : vector<16xi32>
        %gather3A_100 = tpu.vector_load_idx %arg5[%iota3A, %add3A_99] : memref<16x1024xf32, #tpu.memory_space<vmem>>[vector<16xi32>, vector<16xi32>], vector<16xf32>,
        %mul3A_101 = arith.constant 0 : i32
        %mul3A_102 = vector.broadcast %mul3A_101 : i32 to vector<16xi32>
        %mul3A_103 = arith.muli %iota3A, %mul3A_102 : vector<16xi32>
        %mul3A_104 = arith.constant 16 : i32
        %mul3A_105 = arith.muli %scan3A_46, %mul3A_104 : i32
        %add3A_106 = vector.broadcast %mul3A_105 : i32 to vector<16xi32>
        %add3A_107 = arith.addi %mul3A_103, %add3A_106 : vector<16xi32>
        %add3A_108 = arith.constant 5 : i32
        %add3A_109 = vector.broadcast %add3A_108 : i32 to vector<16xi32>
        %add3A_110 = arith.addi %add3A_107, %add3A_109 : vector<16xi32>
        %gather3A_111 = tpu.vector_load_idx %arg5[%iota3A, %add3A_110] : memref<16x1024xf32, #tpu.memory_space<vmem>>[vector<16xi32>, vector<16xi32>], vector<16xf32>,
        %mul3A_112 = arith.constant 0 : i32
        %mul3A_113 = vector.broadcast %mul3A_112 : i32 to vector<16xi32>
        %mul3A_114 = arith.muli %iota3A, %mul3A_113 : vector<16xi32>
        %mul3A_115 = arith.constant 16 : i32
        %mul3A_116 = arith.muli %scan3A_46, %mul3A_115 : i32
        %add3A_117 = vector.broadcast %mul3A_116 : i32 to vector<16xi32>
        %add3A_118 = arith.addi %mul3A_114, %add3A_117 : vector<16xi32>
        %add3A_119 = arith.constant 6 : i32
        %add3A_120 = vector.broadcast %add3A_119 : i32 to vector<16xi32>
        %add3A_121 = arith.addi %add3A_118, %add3A_120 : vector<16xi32>
        %gather3A_122 = tpu.vector_load_idx %arg5[%iota3A, %add3A_121] : memref<16x1024xf32, #tpu.memory_space<vmem>>[vector<16xi32>, vector<16xi32>], vector<16xf32>,
        %mul3A_123 = arith.constant 0 : i32
        %mul3A_124 = vector.broadcast %mul3A_123 : i32 to vector<16xi32>
        %mul3A_125 = arith.muli %iota3A, %mul3A_124 : vector<16xi32>
        %mul3A_126 = arith.constant 16 : i32
        %mul3A_127 = arith.muli %scan3A_46, %mul3A_126 : i32
        %add3A_128 = vector.broadcast %mul3A_127 : i32 to vector<16xi32>
        %add3A_129 = arith.addi %mul3A_125, %add3A_128 : vector<16xi32>
        %add3A_130 = arith.constant 7 : i32
        %add3A_131 = vector.broadcast %add3A_130 : i32 to vector<16xi32>
        %add3A_132 = arith.addi %add3A_129, %add3A_131 : vector<16xi32>
        %gather3A_133 = tpu.vector_load_idx %arg5[%iota3A, %add3A_132] : memref<16x1024xf32, #tpu.memory_space<vmem>>[vector<16xi32>, vector<16xi32>], vector<16xf32>,
        %mul3A_134 = arith.constant 0 : i32
        %mul3A_135 = vector.broadcast %mul3A_134 : i32 to vector<16xi32>
        %mul3A_136 = arith.muli %iota3A, %mul3A_135 : vector<16xi32>
        %mul3A_137 = arith.constant 16 : i32
        %mul3A_138 = arith.muli %scan3A_46, %mul3A_137 : i32
        %add3A_139 = vector.broadcast %mul3A_138 : i32 to vector<16xi32>
        %add3A_140 = arith.addi %mul3A_136, %add3A_139 : vector<16xi32>
        %add3A_141 = arith.constant 8 : i32
        %add3A_142 = vector.broadcast %add3A_141 : i32 to vector<16xi32>
        %add3A_143 = arith.addi %add3A_140, %add3A_142 : vector<16xi32>
        %gather3A_144 = tpu.vector_load_idx %arg5[%iota3A, %add3A_143] : memref<16x1024xf32, #tpu.memory_space<vmem>>[vector<16xi32>, vector<16xi32>], vector<16xf32>,
        %mul3A_145 = arith.constant 0 : i32
        %mul3A_146 = vector.broadcast %mul3A_145 : i32 to vector<16xi32>
        %mul3A_147 = arith.muli %iota3A, %mul3A_146 : vector<16xi32>
        %mul3A_148 = arith.constant 16 : i32
        %mul3A_149 = arith.muli %scan3A_46, %mul3A_148 : i32
        %add3A_150 = vector.broadcast %mul3A_149 : i32 to vector<16xi32>
        %add3A_151 = arith.addi %mul3A_147, %add3A_150 : vector<16xi32>
        %add3A_152 = arith.constant 9 : i32
        %add3A_153 = vector.broadcast %add3A_152 : i32 to vector<16xi32>
        %add3A_154 = arith.addi %add3A_151, %add3A_153 : vector<16xi32>
        %gather3A_155 = tpu.vector_load_idx %arg5[%iota3A, %add3A_154] : memref<16x1024xf32, #tpu.memory_space<vmem>>[vector<16xi32>, vector<16xi32>], vector<16xf32>,
        %mul3A_156 = arith.constant 0 : i32
        %mul3A_157 = vector.broadcast %mul3A_156 : i32 to vector<16xi32>
        %mul3A_158 = arith.muli %iota3A, %mul3A_157 : vector<16xi32>
        %mul3A_159 = arith.constant 16 : i32
        %mul3A_160 = arith.muli %scan3A_46, %mul3A_159 : i32
        %add3A_161 = vector.broadcast %mul3A_160 : i32 to vector<16xi32>
        %add3A_162 = arith.addi %mul3A_158, %add3A_161 : vector<16xi32>
        %add3A_163 = arith.constant 10 : i32
        %add3A_164 = vector.broadcast %add3A_163 : i32 to vector<16xi32>
        %add3A_165 = arith.addi %add3A_162, %add3A_164 : vector<16xi32>
        %gather3A_166 = tpu.vector_load_idx %arg5[%iota3A, %add3A_165] : memref<16x1024xf32, #tpu.memory_space<vmem>>[vector<16xi32>, vector<16xi32>], vector<16xf32>,
        %mul3A_167 = arith.constant 0 : i32
        %mul3A_168 = vector.broadcast %mul3A_167 : i32 to vector<16xi32>
        %mul3A_169 = arith.muli %iota3A, %mul3A_168 : vector<16xi32>
        %mul3A_170 = arith.constant 16 : i32
        %mul3A_171 = arith.muli %scan3A_46, %mul3A_170 : i32
        %add3A_172 = vector.broadcast %mul3A_171 : i32 to vector<16xi32>
        %add3A_173 = arith.addi %mul3A_169, %add3A_172 : vector<16xi32>
        %add3A_174 = arith.constant 11 : i32
        %add3A_175 = vector.broadcast %add3A_174 : i32 to vector<16xi32>
        %add3A_176 = arith.addi %add3A_173, %add3A_175 : vector<16xi32>
        %gather3A_177 = tpu.vector_load_idx %arg5[%iota3A, %add3A_176] : memref<16x1024xf32, #tpu.memory_space<vmem>>[vector<16xi32>, vector<16xi32>], vector<16xf32>,
        %mul3A_178 = arith.constant 0 : i32
        %mul3A_179 = vector.broadcast %mul3A_178 : i32 to vector<16xi32>
        %mul3A_180 = arith.muli %iota3A, %mul3A_179 : vector<16xi32>
        %mul3A_181 = arith.constant 16 : i32
        %mul3A_182 = arith.muli %scan3A_46, %mul3A_181 : i32
        %add3A_183 = vector.broadcast %mul3A_182 : i32 to vector<16xi32>
        %add3A_184 = arith.addi %mul3A_180, %add3A_183 : vector<16xi32>
        %add3A_185 = arith.constant 12 : i32
        %add3A_186 = vector.broadcast %add3A_185 : i32 to vector<16xi32>
        %add3A_187 = arith.addi %add3A_184, %add3A_186 : vector<16xi32>
        %gather3A_188 = tpu.vector_load_idx %arg5[%iota3A, %add3A_187] : memref<16x1024xf32, #tpu.memory_space<vmem>>[vector<16xi32>, vector<16xi32>], vector<16xf32>,
        %mul3A_189 = arith.constant 0 : i32
        %mul3A_190 = vector.broadcast %mul3A_189 : i32 to vector<16xi32>
        %mul3A_191 = arith.muli %iota3A, %mul3A_190 : vector<16xi32>
        %mul3A_192 = arith.constant 16 : i32
        %mul3A_193 = arith.muli %scan3A_46, %mul3A_192 : i32
        %add3A_194 = vector.broadcast %mul3A_193 : i32 to vector<16xi32>
        %add3A_195 = arith.addi %mul3A_191, %add3A_194 : vector<16xi32>
        %add3A_196 = arith.constant 13 : i32
        %add3A_197 = vector.broadcast %add3A_196 : i32 to vector<16xi32>
        %add3A_198 = arith.addi %add3A_195, %add3A_197 : vector<16xi32>
        %gather3A_199 = tpu.vector_load_idx %arg5[%iota3A, %add3A_198] : memref<16x1024xf32, #tpu.memory_space<vmem>>[vector<16xi32>, vector<16xi32>], vector<16xf32>,
        %mul3A_200 = arith.constant 0 : i32
        %mul3A_201 = vector.broadcast %mul3A_200 : i32 to vector<16xi32>
        %mul3A_202 = arith.muli %iota3A, %mul3A_201 : vector<16xi32>
        %mul3A_203 = arith.constant 16 : i32
        %mul3A_204 = arith.muli %scan3A_46, %mul3A_203 : i32
        %add3A_205 = vector.broadcast %mul3A_204 : i32 to vector<16xi32>
        %add3A_206 = arith.addi %mul3A_202, %add3A_205 : vector<16xi32>
        %add3A_207 = arith.constant 14 : i32
        %add3A_208 = vector.broadcast %add3A_207 : i32 to vector<16xi32>
        %add3A_209 = arith.addi %add3A_206, %add3A_208 : vector<16xi32>
        %gather3A_210 = tpu.vector_load_idx %arg5[%iota3A, %add3A_209] : memref<16x1024xf32, #tpu.memory_space<vmem>>[vector<16xi32>, vector<16xi32>], vector<16xf32>,
        %mul3A_211 = arith.constant 0 : i32
        %mul3A_212 = vector.broadcast %mul3A_211 : i32 to vector<16xi32>
        %mul3A_213 = arith.muli %iota3A, %mul3A_212 : vector<16xi32>
        %mul3A_214 = arith.constant 16 : i32
        %mul3A_215 = arith.muli %scan3A_46, %mul3A_214 : i32
        %add3A_216 = vector.broadcast %mul3A_215 : i32 to vector<16xi32>
        %add3A_217 = arith.addi %mul3A_213, %add3A_216 : vector<16xi32>
        %add3A_218 = arith.constant 15 : i32
        %add3A_219 = vector.broadcast %add3A_218 : i32 to vector<16xi32>
        %add3A_220 = arith.addi %add3A_217, %add3A_219 : vector<16xi32>
        %gather3A_221 = tpu.vector_load_idx %arg5[%iota3A, %add3A_220] : memref<16x1024xf32, #tpu.memory_space<vmem>>[vector<16xi32>, vector<16xi32>], vector<16xf32>,
        %mul3A_222 = arith.constant 16 : i32
        %mul3A_223 = arith.muli %scan3A_46, %mul3A_222 : i32
        %add3A_224 = arith.constant 0 : i32
        %add3A_225 = arith.addi %mul3A_223, %add3A_224 : i32
        %mul3A_226 = arith.constant 16 : i32
        %mul3A_227 = arith.muli %add3A_225, %mul3A_226 : i32
        %swap3A = arith.index_cast %mul3A_227 : i32 to index
        %swap3A_228 = tpu.vector_load %arg7[%swap3A] {strides = array<i32>} : memref<16384xf32, #tpu.memory_space<vmem>>, vector<16xf32>,
        tpu.vector_store %arg7[%swap3A], %gather3A {strides = array<i32>} : memref<16384xf32, #tpu.memory_space<vmem>>, vector<16xf32>,
        %mul3A_229 = arith.constant 16 : i32
        %mul3A_230 = arith.muli %scan3A_46, %mul3A_229 : i32
        %add3A_231 = arith.constant 1 : i32
        %add3A_232 = arith.addi %mul3A_230, %add3A_231 : i32
        %mul3A_233 = arith.constant 16 : i32
        %mul3A_234 = arith.muli %add3A_232, %mul3A_233 : i32
        %swap3A_235 = arith.index_cast %mul3A_234 : i32 to index
        %swap3A_236 = tpu.vector_load %arg7[%swap3A_235] {strides = array<i32>} : memref<16384xf32, #tpu.memory_space<vmem>>, vector<16xf32>,
        tpu.vector_store %arg7[%swap3A_235], %gather3A_67 {strides = array<i32>} : memref<16384xf32, #tpu.memory_space<vmem>>, vector<16xf32>,
        %mul3A_237 = arith.constant 16 : i32
        %mul3A_238 = arith.muli %scan3A_46, %mul3A_237 : i32
        %add3A_239 = arith.constant 2 : i32
        %add3A_240 = arith.addi %mul3A_238, %add3A_239 : i32
        %mul3A_241 = arith.constant 16 : i32
        %mul3A_242 = arith.muli %add3A_240, %mul3A_241 : i32
        %swap3A_243 = arith.index_cast %mul3A_242 : i32 to index
        %swap3A_244 = tpu.vector_load %arg7[%swap3A_243] {strides = array<i32>} : memref<16384xf32, #tpu.memory_space<vmem>>, vector<16xf32>,
        tpu.vector_store %arg7[%swap3A_243], %gather3A_78 {strides = array<i32>} : memref<16384xf32, #tpu.memory_space<vmem>>, vector<16xf32>,
        %mul3A_245 = arith.constant 16 : i32
        %mul3A_246 = arith.muli %scan3A_46, %mul3A_245 : i32
        %add3A_247 = arith.constant 3 : i32
        %add3A_248 = arith.addi %mul3A_246, %add3A_247 : i32
        %mul3A_249 = arith.constant 16 : i32
        %mul3A_250 = arith.muli %add3A_248, %mul3A_249 : i32
        %swap3A_251 = arith.index_cast %mul3A_250 : i32 to index
        %swap3A_252 = tpu.vector_load %arg7[%swap3A_251] {strides = array<i32>} : memref<16384xf32, #tpu.memory_space<vmem>>, vector<16xf32>,
        tpu.vector_store %arg7[%swap3A_251], %gather3A_89 {strides = array<i32>} : memref<16384xf32, #tpu.memory_space<vmem>>, vector<16xf32>,
        %mul3A_253 = arith.constant 16 : i32
        %mul3A_254 = arith.muli %scan3A_46, %mul3A_253 : i32
        %add3A_255 = arith.constant 4 : i32
        %add3A_256 = arith.addi %mul3A_254, %add3A_255 : i32
        %mul3A_257 = arith.constant 16 : i32
        %mul3A_258 = arith.muli %add3A_256, %mul3A_257 : i32
        %swap3A_259 = arith.index_cast %mul3A_258 : i32 to index
        %swap3A_260 = tpu.vector_load %arg7[%swap3A_259] {strides = array<i32>} : memref<16384xf32, #tpu.memory_space<vmem>>, vector<16xf32>,
        tpu.vector_store %arg7[%swap3A_259], %gather3A_100 {strides = array<i32>} : memref<16384xf32, #tpu.memory_space<vmem>>, vector<16xf32>,
        %mul3A_261 = arith.constant 16 : i32
        %mul3A_262 = arith.muli %scan3A_46, %mul3A_261 : i32
        %add3A_263 = arith.constant 5 : i32
        %add3A_264 = arith.addi %mul3A_262, %add3A_263 : i32
        %mul3A_265 = arith.constant 16 : i32
        %mul3A_266 = arith.muli %add3A_264, %mul3A_265 : i32
        %swap3A_267 = arith.index_cast %mul3A_266 : i32 to index
        %swap3A_268 = tpu.vector_load %arg7[%swap3A_267] {strides = array<i32>} : memref<16384xf32, #tpu.memory_space<vmem>>, vector<16xf32>,
        tpu.vector_store %arg7[%swap3A_267], %gather3A_111 {strides = array<i32>} : memref<16384xf32, #tpu.memory_space<vmem>>, vector<16xf32>,
        %mul3A_269 = arith.constant 16 : i32
        %mul3A_270 = arith.muli %scan3A_46, %mul3A_269 : i32
        %add3A_271 = arith.constant 6 : i32
        %add3A_272 = arith.addi %mul3A_270, %add3A_271 : i32
        %mul3A_273 = arith.constant 16 : i32
        %mul3A_274 = arith.muli %add3A_272, %mul3A_273 : i32
        %swap3A_275 = arith.index_cast %mul3A_274 : i32 to index
        %swap3A_276 = tpu.vector_load %arg7[%swap3A_275] {strides = array<i32>} : memref<16384xf32, #tpu.memory_space<vmem>>, vector<16xf32>,
        tpu.vector_store %arg7[%swap3A_275], %gather3A_122 {strides = array<i32>} : memref<16384xf32, #tpu.memory_space<vmem>>, vector<16xf32>,
        %mul3A_277 = arith.constant 16 : i32
        %mul3A_278 = arith.muli %scan3A_46, %mul3A_277 : i32
        %add3A_279 = arith.constant 7 : i32
        %add3A_280 = arith.addi %mul3A_278, %add3A_279 : i32
        %mul3A_281 = arith.constant 16 : i32
        %mul3A_282 = arith.muli %add3A_280, %mul3A_281 : i32
        %swap3A_283 = arith.index_cast %mul3A_282 : i32 to index
        %swap3A_284 = tpu.vector_load %arg7[%swap3A_283] {strides = array<i32>} : memref<16384xf32, #tpu.memory_space<vmem>>, vector<16xf32>,
        tpu.vector_store %arg7[%swap3A_283], %gather3A_133 {strides = array<i32>} : memref<16384xf32, #tpu.memory_space<vmem>>, vector<16xf32>,
        %mul3A_285 = arith.constant 16 : i32
        %mul3A_286 = arith.muli %scan3A_46, %mul3A_285 : i32
        %add3A_287 = arith.constant 8 : i32
        %add3A_288 = arith.addi %mul3A_286, %add3A_287 : i32
        %mul3A_289 = arith.constant 16 : i32
        %mul3A_290 = arith.muli %add3A_288, %mul3A_289 : i32
        %swap3A_291 = arith.index_cast %mul3A_290 : i32 to index
        %swap3A_292 = tpu.vector_load %arg7[%swap3A_291] {strides = array<i32>} : memref<16384xf32, #tpu.memory_space<vmem>>, vector<16xf32>,
        tpu.vector_store %arg7[%swap3A_291], %gather3A_144 {strides = array<i32>} : memref<16384xf32, #tpu.memory_space<vmem>>, vector<16xf32>,
        %mul3A_293 = arith.constant 16 : i32
        %mul3A_294 = arith.muli %scan3A_46, %mul3A_293 : i32
        %add3A_295 = arith.constant 9 : i32
        %add3A_296 = arith.addi %mul3A_294, %add3A_295 : i32
        %mul3A_297 = arith.constant 16 : i32
        %mul3A_298 = arith.muli %add3A_296, %mul3A_297 : i32
        %swap3A_299 = arith.index_cast %mul3A_298 : i32 to index
        %swap3A_300 = tpu.vector_load %arg7[%swap3A_299] {strides = array<i32>} : memref<16384xf32, #tpu.memory_space<vmem>>, vector<16xf32>,
        tpu.vector_store %arg7[%swap3A_299], %gather3A_155 {strides = array<i32>} : memref<16384xf32, #tpu.memory_space<vmem>>, vector<16xf32>,
        %mul3A_301 = arith.constant 16 : i32
        %mul3A_302 = arith.muli %scan3A_46, %mul3A_301 : i32
        %add3A_303 = arith.constant 10 : i32
        %add3A_304 = arith.addi %mul3A_302, %add3A_303 : i32
        %mul3A_305 = arith.constant 16 : i32
        %mul3A_306 = arith.muli %add3A_304, %mul3A_305 : i32
        %swap3A_307 = arith.index_cast %mul3A_306 : i32 to index
        %swap3A_308 = tpu.vector_load %arg7[%swap3A_307] {strides = array<i32>} : memref<16384xf32, #tpu.memory_space<vmem>>, vector<16xf32>,
        tpu.vector_store %arg7[%swap3A_307], %gather3A_166 {strides = array<i32>} : memref<16384xf32, #tpu.memory_space<vmem>>, vector<16xf32>,
        %mul3A_309 = arith.constant 16 : i32
        %mul3A_310 = arith.muli %scan3A_46, %mul3A_309 : i32
        %add3A_311 = arith.constant 11 : i32
        %add3A_312 = arith.addi %mul3A_310, %add3A_311 : i32
        %mul3A_313 = arith.constant 16 : i32
        %mul3A_314 = arith.muli %add3A_312, %mul3A_313 : i32
        %swap3A_315 = arith.index_cast %mul3A_314 : i32 to index
        %swap3A_316 = tpu.vector_load %arg7[%swap3A_315] {strides = array<i32>} : memref<16384xf32, #tpu.memory_space<vmem>>, vector<16xf32>,
        tpu.vector_store %arg7[%swap3A_315], %gather3A_177 {strides = array<i32>} : memref<16384xf32, #tpu.memory_space<vmem>>, vector<16xf32>,
        %mul3A_317 = arith.constant 16 : i32
        %mul3A_318 = arith.muli %scan3A_46, %mul3A_317 : i32
        %add3A_319 = arith.constant 12 : i32
        %add3A_320 = arith.addi %mul3A_318, %add3A_319 : i32
        %mul3A_321 = arith.constant 16 : i32
        %mul3A_322 = arith.muli %add3A_320, %mul3A_321 : i32
        %swap3A_323 = arith.index_cast %mul3A_322 : i32 to index
        %swap3A_324 = tpu.vector_load %arg7[%swap3A_323] {strides = array<i32>} : memref<16384xf32, #tpu.memory_space<vmem>>, vector<16xf32>,
        tpu.vector_store %arg7[%swap3A_323], %gather3A_188 {strides = array<i32>} : memref<16384xf32, #tpu.memory_space<vmem>>, vector<16xf32>,
        %mul3A_325 = arith.constant 16 : i32
        %mul3A_326 = arith.muli %scan3A_46, %mul3A_325 : i32
        %add3A_327 = arith.constant 13 : i32
        %add3A_328 = arith.addi %mul3A_326, %add3A_327 : i32
        %mul3A_329 = arith.constant 16 : i32
        %mul3A_330 = arith.muli %add3A_328, %mul3A_329 : i32
        %swap3A_331 = arith.index_cast %mul3A_330 : i32 to index
        %swap3A_332 = tpu.vector_load %arg7[%swap3A_331] {strides = array<i32>} : memref<16384xf32, #tpu.memory_space<vmem>>, vector<16xf32>,
        tpu.vector_store %arg7[%swap3A_331], %gather3A_199 {strides = array<i32>} : memref<16384xf32, #tpu.memory_space<vmem>>, vector<16xf32>,
        %mul3A_333 = arith.constant 16 : i32
        %mul3A_334 = arith.muli %scan3A_46, %mul3A_333 : i32
        %add3A_335 = arith.constant 14 : i32
        %add3A_336 = arith.addi %mul3A_334, %add3A_335 : i32
        %mul3A_337 = arith.constant 16 : i32
        %mul3A_338 = arith.muli %add3A_336, %mul3A_337 : i32
        %swap3A_339 = arith.index_cast %mul3A_338 : i32 to index
        %swap3A_340 = tpu.vector_load %arg7[%swap3A_339] {strides = array<i32>} : memref<16384xf32, #tpu.memory_space<vmem>>, vector<16xf32>,
        tpu.vector_store %arg7[%swap3A_339], %gather3A_210 {strides = array<i32>} : memref<16384xf32, #tpu.memory_space<vmem>>, vector<16xf32>,
        %mul3A_341 = arith.constant 16 : i32
        %mul3A_342 = arith.muli %scan3A_46, %mul3A_341 : i32
        %add3A_343 = arith.constant 15 : i32
        %add3A_344 = arith.addi %mul3A_342, %add3A_343 : i32
        %mul3A_345 = arith.constant 16 : i32
        %mul3A_346 = arith.muli %add3A_344, %mul3A_345 : i32
        %swap3A_347 = arith.index_cast %mul3A_346 : i32 to index
        %swap3A_348 = tpu.vector_load %arg7[%swap3A_347] {strides = array<i32>} : memref<16384xf32, #tpu.memory_space<vmem>>, vector<16xf32>,
        tpu.vector_store %arg7[%swap3A_347], %gather3A_221 {strides = array<i32>} : memref<16384xf32, #tpu.memory_space<vmem>>, vector<16xf32>,
      }
      %scan3A_43 = arith.constant 64 : i32
      %mul3A_44 = arith.constant 16 : i32
      %mul3A_45 = arith.muli %mul3A_28, %mul3A_44 : i32
      "tpu.region"() ({
        %run_scoped3A = tpu.sem_alloc : memref<!tpu.dma_semaphore, #tpu.memory_space<semaphore_mem>>
        %dma_start3A_46 = tpu.memref_slice %arg4[%mul3A_45] : memref<41600000xf32, #tpu.memory_space<hbm>> -> memref<16384xf32, #tpu.memory_space<hbm>>
        %dma_start3A_47 = tpu.memref_slice %arg4[%mul3A_45] : memref<41600000xf32, #tpu.memory_space<hbm>> -> memref<16384xf32, #tpu.memory_space<hbm>>
        tpu.enqueue_dma source(%arg7 : memref<16384xf32, #tpu.memory_space<vmem>>) target(%dma_start3A_47 : memref<16384xf32, #tpu.memory_space<hbm>>) target_semaphore(%run_scoped3A : memref<!tpu.dma_semaphore, #tpu.memory_space<semaphore_mem>>)
        %dma_wait3A_48 = tpu.memref_slice %arg4[%mul3A_45] : memref<41600000xf32, #tpu.memory_space<hbm>> -> memref<16384xf32, #tpu.memory_space<hbm>>
        %dma_wait3A_49 = tpu.memref_slice %arg4[%mul3A_45] : memref<41600000xf32, #tpu.memory_space<hbm>> -> memref<16384xf32, #tpu.memory_space<hbm>>
        tpu.wait_dma2 semaphore(%run_scoped3A : memref<!tpu.dma_semaphore, #tpu.memory_space<semaphore_mem>>) src(%arg7 : memref<16384xf32, #tpu.memory_space<vmem>>) dst(%dma_wait3A_49 : memref<16384xf32, #tpu.memory_space<hbm>>)
        tpu.yield
      }) : () -> ()
    } else {
    }
    %eq3A = arith.constant 31 : i32
    %eq3A_21 = arith.cmpi eq, %add3A, %eq3A : i32
    %convert_element_type3A_22 = arith.extui %eq3A_21 : i1 to i32
    %cond3A_23 = arith.constant 0 : i32
    %cond3A_24 = arith.cmpi ne, %convert_element_type3A_22, %cond3A_23 : i32
    scf.if %cond3A_24 {
      "tpu.region"() ({
        %run_scoped3A = tpu.sem_alloc : memref<!tpu.dma_semaphore, #tpu.memory_space<semaphore_mem>>
        %dma_start3A_25 = arith.constant 41598976 : i32
        %dma_start3A_26 = tpu.memref_slice %arg4[%dma_start3A_25] : memref<41600000xf32, #tpu.memory_space<hbm>> -> memref<1024xf32, #tpu.memory_space<hbm>>
        tpu.enqueue_dma source(%arg3 : memref<1024xf32, #tpu.memory_space<hbm>>) target(%dma_start3A_26 : memref<1024xf32, #tpu.memory_space<hbm>>) target_semaphore(%run_scoped3A : memref<!tpu.dma_semaphore, #tpu.memory_space<semaphore_mem>>)
        %dma_wait3A_27 = arith.constant 41598976 : i32
        %dma_wait3A_28 = tpu.memref_slice %arg4[%dma_wait3A_27] : memref<41600000xf32, #tpu.memory_space<hbm>> -> memref<1024xf32, #tpu.memory_space<hbm>>
        tpu.wait_dma2 semaphore(%run_scoped3A : memref<!tpu.dma_semaphore, #tpu.memory_space<semaphore_mem>>) src(%arg3 : memref<1024xf32, #tpu.memory_space<hbm>>) dst(%dma_wait3A_28 : memref<1024xf32, #tpu.memory_space<hbm>>)
        tpu.yield
      }) : () -> ()
    } else {
    }
    return
  }
}

</mosaic_0001>

<sc_bundles>
// kernel: _sc_transpose.3.cloned.1.call-start
scs
__scs_entry_jumppad:
0x0: {  	(pc) =	sbr.rel $0x88, $3  }
0x1: {  	(tag) =	ssettag $0x0;
	lr =	simm.s32 $0x1  }
0x2: {  	[smem:$0x3F9F] =	sst lr;
	_ =	strace $0xD0000000  }
0x3: {  	_ = 	snop  }
0x4: {  	_ = 	snop  }
0x5: {  	_ = 	snop  }
0x6: {  	_ = 	snop  }
0x7: {  	_ = 	snop  }
__scs_overlays_trampoline_lowered:
0x8: {  	[smem:$0x3FAE] =	sst s0  }
0x9: {  	[smem:$0x3FAF] =	sst s1  }
0xa: {  	[smem:$0x3FB0] =	sst s2  }
0xb: {  	[smem:$0x3FB1] =	sst s3  }
0xc: {  	[smem:$0x3FB2] =	sst s4  }
0xd: {  	[smem:$0x3FB3] =	sst s5  }
0xe: {  	[smem:$0x3FB4] =	sst s6  }
0xf: {  	[smem:$0x3FB5] =	sst s7  }
0x10: {  	[smem:$0x3FB6] =	sst s8  }
0x11: {  	[smem:$0x3FB7] =	sst s9;
	s0 =	simm.s32 @!p0 $0x0  }
0x12: {  	s1 =	sld [smem:$0x3F9D];
	s0 =	simm.s32 @p0 $0x1  }
0x13: {  	[smem:$0x3FB8] =	sst s0;
	s0 =	simm.s32 @!p1 $0x0  }
0x14: {  	s2 =	sld [smem:$0x3F9C];
	s0 =	simm.s32 @p1 $0x1  }
0x15: {  	[smem:$0x3FB9] =	sst s0;
	s0 =	simm.s32 @!p2 $0x0  }
0x16: {  	s3 =	sld [smem:$0x3FDB];
	s0 =	simm.s32 @p2 $0x1  }
0x17: {  	s4 =	simm.s32 $0x1BF5;
	[smem:$0x3FBB] =	sst s0  }
0x18: {  	s0 =	sld [smem:$0x3F9E];
	_ =	swait.ge [sflag:s4], $0x0  }
0x19: {  	s7 =	sld [smem:$0x3F9F]  }
0x1a: {  	s8 =	sadd.s32 $0xFFFFE003, lr  }
0x1b: {  	s9 =	sadd.s32 $0xFFFFFEF7, lr;
	s5 =	simm.s32 $0xFFFFFFFF;
	p2 =	slt.u32 s8, $0xFFFFF086  }
0x1c: {  	p1 =	slt.u32 s9, $0xF7A;
	s5 =	simm.s32 @!p2 $0x0  }
0x1d: {  	s5 =	simm.s32 @p1 $0x1;
	p0 =	seq.s32 s7, s2  }
0x1e: {  	s7 =	smul.u32 @!p0 $0xF7A, s2;
	p2 =	seq.s32 @!p0 s5, $0x0  }
0x1f: {  	s9 =	smul.u32 $0xF7A, s1;
	s8 =	simm.s32 @!p0 $0x1BF5;
	p2 =	por !p2, p0  }
0x20: {  	[sflag:s8] =	ssyncset.s32 @!p0 $0xFFFFF086;
	s6 =	sadd.s32 @!p0 s3, s7;
	s7 =	simm.s32 @!p0 $0x108  }
0x21: {  	s3 =	sadd.s32 s3, s9;
	s6 =	sadd.s32 @!p0 $0x88, s6;
	s7 =	simm.s32 @p2 $0x1082  }
0x22: {  	[simem:s7], [sflag:s8] =	dma.local @!p0 [hbm:s6], $0xF7A  }
0x23: {  	s9 =	sor.u32 $0xD0000000, s2;
	s6 =	simm.s32 $0x108;
	_ =	swait.ge @!p0 [sflag:s8], $0x0  }
0x24: {  	s3 =	sadd.s32 $0x88, s3;
	s6 =	simm.s32 @!p1 $0x1082;
	[sflag:s4] =	ssyncset.s32 $0xFFFFF086  }
0x25: {  	[simem:s6], [sflag:s4] =	dma.local [hbm:s3], $0xF7A  }
0x26: {  	[smem:$0x3F9F] =	sst s1;
	(tag) =	ssettag s2;
	_ =	strace s9  }
0x27: {  	s1 =	sld [smem:$0x3FAF]  }
0x28: {  	s2 =	sld [smem:$0x3FB0]  }
0x29: {  	s4 =	sld [smem:$0x3FB2]  }
0x2a: {  	p0 =	seq.s32 s5, $0x0;
	s5 =	sld [smem:$0x3FB3]  }
0x2b: {  	s6 =	sld [smem:$0x3FB4]  }
0x2c: {  	s7 =	sld [smem:$0x3FB5]  }
0x2d: {  	s3 =	simm.s32 $0x108;
	s8 =	sld [smem:$0x3FB6]  }
0x2e: {  	s3 =	simm.s32 @!p0 $0x1082;
	s9 =	sld [smem:$0x3FB7]  }
0x2f: {  	lr =	sadd.s32 s0, s3;
	s0 =	sld [smem:$0x3FAE]  }
0x30: {  	s3 =	sld [smem:$0x3FB1]  }
0x31: {  	[smem:$0x3FBA] =	sst s10  }
0x32: {  	s10 =	sld [smem:$0x3FB8];
	_ =	sdelay $0x3  }
0x33: {  	p0 =	seq.s32 s10, $0x1;
	s10 =	sld [smem:$0x3FBA];
	_ =	sdelay $0x3  }
0x34: {  	[smem:$0x3FBA] =	sst s10  }
0x35: {  	s10 =	sld [smem:$0x3FB9];
	_ =	sdelay $0x3  }
0x36: {  	p1 =	seq.s32 s10, $0x1;
	s10 =	sld [smem:$0x3FBA];
	_ =	sdelay $0x3  }
0x37: {  	[smem:$0x3FBA] =	sst s10  }
0x38: {  	s10 =	sld [smem:$0x3FBB]  }
0x39: {  	_ = 	snop;
	(pc) =	sbr.ind lr, $3  }
0x3a: {  	_ = 	snop  }
0x3b: {  	_ = 	snop  }
0x3c: {  	p2 =	seq.s32 s10, $0x1;
	s10 =	sld [smem:$0x3FBA]  }
0x3d: {  	_ =	shalt  }
0x3e: {  	_ =	shalt  }
0x3f: {  	_ =	shalt  }
0x40: {  	_ =	shalt  }
0x41: {  	_ =	shalt  }
0x42: {  	_ =	shalt  }
0x43: {  	_ =	shalt  }
0x44: {  	_ =	shalt  }
0x45: {  	_ =	shalt  }
0x46: {  	_ =	shalt  }
0x47: {  	_ =	shalt  }
0x48: {  	_ =	shalt  }
0x49: {  	_ =	shalt  }
0x4a: {  	_ =	shalt  }
0x4b: {  	_ =	shalt  }
0x4c: {  	_ =	shalt  }
0x4d: {  	_ =	shalt  }
0x4e: {  	_ =	shalt  }
0x4f: {  	_ =	shalt  }
0x50: {  	_ =	shalt  }
0x51: {  	_ =	shalt  }
0x52: {  	_ =	shalt  }
0x53: {  	_ =	shalt  }
0x54: {  	_ =	shalt  }
0x55: {  	_ =	shalt  }
0x56: {  	_ =	shalt  }
0x57: {  	_ =	shalt  }
0x58: {  	_ =	shalt  }
0x59: {  	_ =	shalt  }
0x5a: {  	_ =	shalt  }
0x5b: {  	_ =	shalt  }
0x5c: {  	_ =	shalt  }
0x5d: {  	_ =	shalt  }
0x5e: {  	_ =	shalt  }
0x5f: {  	_ =	shalt  }
0x60: {  	_ =	shalt  }
0x61: {  	_ =	shalt  }
0x62: {  	_ =	shalt  }
0x63: {  	_ =	shalt  }
0x64: {  	_ =	shalt  }
0x65: {  	_ =	shalt  }
0x66: {  	_ =	shalt  }
0x67: {  	_ =	shalt  }
0x68: {  	_ =	shalt  }
0x69: {  	_ =	shalt  }
0x6a: {  	_ =	shalt  }
0x6b: {  	_ =	shalt  }
0x6c: {  	_ =	shalt  }
0x6d: {  	_ =	shalt  }
0x6e: {  	_ =	shalt  }
0x6f: {  	_ =	shalt  }
0x70: {  	_ =	shalt  }
0x71: {  	_ =	shalt  }
0x72: {  	_ =	shalt  }
0x73: {  	_ =	shalt  }
0x74: {  	_ =	shalt  }
0x75: {  	_ =	shalt  }
0x76: {  	_ =	shalt  }
0x77: {  	_ =	shalt  }
0x78: {  	_ =	shalt  }
0x79: {  	_ =	shalt  }
0x7a: {  	_ =	shalt  }
0x7b: {  	_ =	shalt  }
0x7c: {  	_ =	shalt  }
0x7d: {  	_ =	shalt  }
0x7e: {  	_ =	shalt  }
0x7f: {  	_ =	shalt  }
0x80: {  	_ =	shalt  }
0x81: {  	_ =	shalt  }
0x82: {  	_ =	shalt  }
0x83: {  	_ =	shalt  }
0x84: {  	_ =	shalt  }
0x85: {  	_ =	shalt  }
0x86: {  	_ =	shalt  }
0x87: {  	_ =	shalt  }
.Lfunc_end0:
.L_simem_size_0:
called_computation_lowered:
.L_overlay_start_0:
0x88: {  	s2 =	sld [smem:$0x3FD9]  }
0x89: {  	s3 =	sld [smem:$0x3FFE];
	_ =	sdelay $0x1  }
0x8a: {  	s1 =	srdreg.scid  }
0x8b: {  	s0 =	sand.u32 $0x1, s1  }
0x8c: {  	s18 =	sshll.u32 s0, $0xA;
	s2 =	sadd.s32 s3, s2  }
0x8d: {  	s2 =	sadd.s32 s2, s18  }
0x8e: {  	[smem:$0x3FC6] =	sst s2  }
0x8f: {  	_ = 	snop  }
0x90: {  	s2 =	sld [smem:$0x3FC9]  }
0x91: {  	s19 =	sld [smem:$0x3FC8]  }
0x92: {  	s4 =	sld [smem:$0x3FD0];
	(tm) =	ssettm $0x1  }
0x93: {  	s5 =	sld [smem:$0x3FFB];
	_ =	sdelay $0x3  }
0x94: {  	_ =	strace s5  }
0x95: {  	s5 =	sld [smem:$0x3FFC];
	_ =	sdelay $0x3  }
0x96: {  	_ =	strace s5  }
0x97: {  	s5 =	sld [smem:$0x3FFD];
	_ =	sdelay $0x3  }
0x98: {  	_ =	strace s5  }
0x99: {  	_ =	strace $0x8FFFFFFF  }
0x9a: {  	s20 =	sld [smem:$0x3FDB];
	_ =	sdelay $0x1  }
0x9b: {  	s6 =	simm.s32 $_scs_section_size  }
0x9c: {  	s7 =	simm.s32 $_size__tile_overlayer_lowered;
	s8 =	simm.s32 $_tile_overlayer_lowered  }
0x9d: {  	s23 =	simm.s32 $0x1BFF;
	s22 =	sshll.u32 s8, $0x1;
	s5 =	sadd.s32 s6, s20  }
0x9e: {  	s9 =	simm.s32 $0x0;
	s21 =	sshll.u32 s7, $0x1;
	s7 =	sadd.s32 s22, s5  }
0x9f: {  	[timem:s9], [sflag:s23] =	dma.local [hbm:s7], s21  }
0xa0: {  	_ =	swait.ge [sflag:s23], s21  }
0xa1: {  	s6 =	ssub.s32 $0x0, s21;
	[sflag:s23] =	ssyncset.done $0x0  }
0xa2: {  	[sflag:s23] =	ssyncadd.s32 s6;
	_ =	sdelay $0x1  }
0xa3: {  	s24 =	simm.s32 $0x1B8B  }
0xa4: {  	_ =	swait.ge [sflag:s24], $0x1  }
0xa5: {  	[sflag:s24] =	ssyncset.done $0x0  }
0xa6: {  	s25 =	simm.s32 $0x1B8E;
	[sflag:s24] =	ssyncadd.s32 $0xFFFFFFFF  }
0xa7: {  	s26 =	simm.s32 $execute0_lowered;
	[smem:$0x3FD2] =	sst s25  }
0xa8: {  	s6 =	sshll.u32 s26, $0x1;
	_ =	strace $0x80000046;
	[dreg:$0x1] =	wrdreg $0xFFFFFFFF  }
0xa9: {  	s28 =	simm.s32 $_size_execute0_lowered;
	s5 =	sadd.s32 s5, s6;
	[dreg:$0x0] =	wrdreg $0x0  }
0xaa: {  	s6 =	sshll.u32 s28, $0x1;
	[dreg:$0x2] =	wrdreg s5  }
0xab: {  	[dreg:$0x3] =	wrdreg s6  }
0xac: {  	[dreg:$0x4] =	wrdreg $0xC0  }
0xad: {  	_ =	task [dreg:s9], $0x5FFFF  }
0xae: {  	[dreg:$0x1] =	wrdreg $0xFFFFFFFF  }
0xaf: {  	[dreg:$0x0] =	wrdreg $0x60  }
0xb0: {  	[dreg:$0x2] =	wrdreg s2  }
0xb1: {  	[dreg:$0x3] =	wrdreg s19  }
0xb2: {  	[dreg:$0x4] =	wrdreg s4  }
0xb3: {  	[dreg:$0x5] =	wrdreg $0x9  }
0xb4: {  	_ =	task.clear_ibuf [dreg:s9], $0x6FFFF;
	_ =	strace $0x90000046  }
0xb5: {  	s29 =	simm.s32 $0x9;
	_ =	strace $0x80000048  }
0xb6: {  	_ =	swait.ge [sflag:s29], $0x1  }
0xb7: {  	[sflag:s29] =	ssyncadd.s32 $0xFFFFFFFF  }
0xb8: {  	_ =	strace $0x90000048  }
0xb9: {  	_ =	sfence  }
0xba: {  	s30 =	sld [smem:$0x0];
	_ =	sdelay $0x2  }
0xbb: {  	s31 =	sshll.u32 s1, $0xD;
	s1 =	sshrl.u32 s1, $0x2  }
0xbc: {  	s3 =	sand.u32 $0x4000, s31;
	s1 =	sadd.s32 s1, s30  }
0xbd: {  	s0 =	sor.u32 s3, s0;
	s1 =	sshll.u32 s1, $0x11  }
0xbe: {  	s0 =	sor.u32 s1, s0  }
0xbf: {  	s0 =	sadd.s32 $0x8F2B, s0  }
0xc0: {  	[sflag:s0] =	ssyncadd.remote.s32 $0x1  }
0xc1: {  	_ =	sfence.sel $0xFFFF  }
0xc2: {  	[dreg:$0x0] =	wrdreg $0xFFFFFFFF;
	(pc) =	sbr.abs _section_cstart, $3  }
0xc3: {  	[dreg:$0x1] =	wrdreg $0xFFFFFFFF  }
0xc4: {  	_ =	task.clear_ibuf [dreg:s9], $0x2FFFF;
	_ =	strace $0x9FFFFFFF  }
0xc5: {  	(tm) =	ssettm $0x7FFFFFFF  }
tec
execute0_lowered:
.L_overlay_start_1:
0x0: {  	(tag) =	ssettag $0x1  }
0x1: {  	v0 =	vimm.s32 $0x2380  }
0x2: {  	vm14 =	vcmask $0x300;
	vm13 =	vcmask $0x704;
	vm12 =	vcmask $0xB08  }
0x3: {  	vm11 =	vcmask $0xF0C;
	vm10 =	vcmask $0x1310;
	vm9 =	vcmask $0x1714  }
0x4: {  	vm8 =	vcmask $0x1B18;
	vm7 =	vcmask $0x1F1C;
	vm6 =	vcmask $0x2320  }
0x5: {  	vm5 =	vcmask $0x2724;
	vm4 =	vcmask $0x2B28;
	vm3 =	vcmask $0x2F2C  }
0x6: {  	vm2 =	vcmask $0x3330;
	vm1 =	vcmask $0x3734;
	vm0 =	vcmask $0x3B38  }
0x7: {  	v1 =	vimm.s32 $0x2381;
	v2 =	vimm.s32 $0x2382;
	v3 =	vimm.s32 $0x2383  }
0x8: {  	v4 =	vimm.s32 $0x2384;
	v5 =	vimm.s32 $0x2385;
	v6 =	vimm.s32 $0x2386  }
0x9: {  	v7 =	vimm.s32 $0x2387;
	v8 =	vimm.s32 $0x2388;
	v9 =	vimm.s32 $0x2389  }
0xa: {  	v10 =	vimm.s32 $0x238A;
	v11 =	vimm.s32 $0x238B;
	v12 =	vimm.s32 $0x238C  }
0xb: {  	v13 =	vimm.s32 $0x238D;
	v14 =	vimm.s32 $0x238E;
	v15 =	vimm.s32 $0x238F  }
0xc: {  	v0 =	vsel vm14, $0x0, v0;
	v1 =	vsel vm14, $0x1, v1;
	v2 =	vsel vm14, $0x2, v2  }
0xd: {  	v3 =	vsel vm14, $0x3, v3;
	v4 =	vsel vm14, $0x4, v4;
	v5 =	vsel vm14, $0x5, v5  }
0xe: {  	v6 =	vsel vm14, $0x6, v6;
	v7 =	vsel vm14, $0x7, v7;
	v8 =	vsel vm14, $0x8, v8  }
0xf: {  	v9 =	vsel vm14, $0x9, v9;
	v10 =	vsel vm14, $0xA, v10;
	v11 =	vsel vm14, $0xB, v11  }
0x10: {  	v12 =	vsel vm14, $0xC, v12;
	v13 =	vsel vm14, $0xD, v13;
	v14 =	vsel vm14, $0xE, v14  }
0x11: {  	v15 =	vsel vm14, $0xF, v15;
	v0 =	vsel vm13, $0x80, v0;
	v1 =	vsel vm13, $0x81, v1  }
0x12: {  	v2 =	vsel vm13, $0x82, v2;
	v3 =	vsel vm13, $0x83, v3;
	v4 =	vsel vm13, $0x84, v4  }
0x13: {  	v5 =	vsel vm13, $0x85, v5;
	v6 =	vsel vm13, $0x86, v6;
	v7 =	vsel vm13, $0x87, v7  }
0x14: {  	v8 =	vsel vm13, $0x88, v8;
	v9 =	vsel vm13, $0x89, v9;
	v10 =	vsel vm13, $0x8A, v10  }
0x15: {  	v11 =	vsel vm13, $0x8B, v11;
	v12 =	vsel vm13, $0x8C, v12;
	v13 =	vsel vm13, $0x8D, v13  }
0x16: {  	v14 =	vsel vm13, $0x8E, v14;
	v15 =	vsel vm13, $0x8F, v15;
	v0 =	vsel vm12, $0x100, v0  }
0x17: {  	v1 =	vsel vm12, $0x101, v1;
	v2 =	vsel vm12, $0x102, v2;
	v3 =	vsel vm12, $0x103, v3  }
0x18: {  	v4 =	vsel vm12, $0x104, v4;
	v5 =	vsel vm12, $0x105, v5;
	v6 =	vsel vm12, $0x106, v6  }
0x19: {  	v7 =	vsel vm12, $0x107, v7;
	v8 =	vsel vm12, $0x108, v8;
	v9 =	vsel vm12, $0x109, v9  }
0x1a: {  	v10 =	vsel vm12, $0x10A, v10;
	v11 =	vsel vm12, $0x10B, v11;
	v12 =	vsel vm12, $0x10C, v12  }
0x1b: {  	v13 =	vsel vm12, $0x10D, v13;
	v14 =	vsel vm12, $0x10E, v14;
	v15 =	vsel vm12, $0x10F, v15  }
0x1c: {  	v0 =	vsel vm11, $0x180, v0;
	v1 =	vsel vm11, $0x181, v1;
	v2 =	vsel vm11, $0x182, v2  }
0x1d: {  	v3 =	vsel vm11, $0x183, v3;
	v4 =	vsel vm11, $0x184, v4;
	v5 =	vsel vm11, $0x185, v5  }
0x1e: {  	v6 =	vsel vm11, $0x186, v6;
	v7 =	vsel vm11, $0x187, v7;
	v8 =	vsel vm11, $0x188, v8  }
0x1f: {  	v9 =	vsel vm11, $0x189, v9;
	v10 =	vsel vm11, $0x18A, v10;
	v11 =	vsel vm11, $0x18B, v11  }
0x20: {  	v12 =	vsel vm11, $0x18C, v12;
	v13 =	vsel vm11, $0x18D, v13;
	v14 =	vsel vm11, $0x18E, v14  }
0x21: {  	v15 =	vsel vm11, $0x18F, v15;
	v0 =	vsel vm10, $0x200, v0;
	v1 =	vsel vm10, $0x201, v1  }
0x22: {  	v2 =	vsel vm10, $0x202, v2;
	v3 =	vsel vm10, $0x203, v3;
	v4 =	vsel vm10, $0x204, v4  }
0x23: {  	v5 =	vsel vm10, $0x205, v5;
	v6 =	vsel vm10, $0x206, v6;
	v7 =	vsel vm10, $0x207, v7  }
0x24: {  	v8 =	vsel vm10, $0x208, v8;
	v9 =	vsel vm10, $0x209, v9;
	v10 =	vsel vm10, $0x20A, v10  }
0x25: {  	v11 =	vsel vm10, $0x20B, v11;
	v12 =	vsel vm10, $0x20C, v12;
	v13 =	vsel vm10, $0x20D, v13  }
0x26: {  	v14 =	vsel vm10, $0x20E, v14;
	v15 =	vsel vm10, $0x20F, v15;
	v0 =	vsel vm9, $0x280, v0  }
0x27: {  	v1 =	vsel vm9, $0x281, v1;
	v2 =	vsel vm9, $0x282, v2;
	v3 =	vsel vm9, $0x283, v3  }
0x28: {  	v4 =	vsel vm9, $0x284, v4;
	v5 =	vsel vm9, $0x285, v5;
	v6 =	vsel vm9, $0x286, v6  }
0x29: {  	v7 =	vsel vm9, $0x287, v7;
	v8 =	vsel vm9, $0x288, v8;
	v9 =	vsel vm9, $0x289, v9  }
0x2a: {  	v10 =	vsel vm9, $0x28A, v10;
	v11 =	vsel vm9, $0x28B, v11;
	v12 =	vsel vm9, $0x28C, v12  }
0x2b: {  	v13 =	vsel vm9, $0x28D, v13;
	v14 =	vsel vm9, $0x28E, v14;
	v15 =	vsel vm9, $0x28F, v15  }
0x2c: {  	v0 =	vsel vm8, $0x300, v0;
	v1 =	vsel vm8, $0x301, v1;
	v2 =	vsel vm8, $0x302, v2  }
0x2d: {  	v3 =	vsel vm8, $0x303, v3;
	v4 =	vsel vm8, $0x304, v4;
	v5 =	vsel vm8, $0x305, v5  }
0x2e: {  	v6 =	vsel vm8, $0x306, v6;
	v7 =	vsel vm8, $0x307, v7;
	v8 =	vsel vm8, $0x308, v8  }
0x2f: {  	v9 =	vsel vm8, $0x309, v9;
	v10 =	vsel vm8, $0x30A, v10;
	v11 =	vsel vm8, $0x30B, v11  }
0x30: {  	v12 =	vsel vm8, $0x30C, v12;
	v13 =	vsel vm8, $0x30D, v13;
	v14 =	vsel vm8, $0x30E, v14  }
0x31: {  	v15 =	vsel vm8, $0x30F, v15;
	v0 =	vsel vm7, $0x380, v0;
	v1 =	vsel vm7, $0x381, v1  }
0x32: {  	v2 =	vsel vm7, $0x382, v2;
	v3 =	vsel vm7, $0x383, v3;
	v4 =	vsel vm7, $0x384, v4  }
0x33: {  	v5 =	vsel vm7, $0x385, v5;
	v6 =	vsel vm7, $0x386, v6;
	v7 =	vsel vm7, $0x387, v7  }
0x34: {  	v8 =	vsel vm7, $0x388, v8;
	v9 =	vsel vm7, $0x389, v9;
	v10 =	vsel vm7, $0x38A, v10  }
0x35: {  	v11 =	vsel vm7, $0x38B, v11;
	v12 =	vsel vm7, $0x38C, v12;
	v13 =	vsel vm7, $0x38D, v13  }
0x36: {  	v14 =	vsel vm7, $0x38E, v14;
	v15 =	vsel vm7, $0x38F, v15;
	v0 =	vsel vm6, $0x2000, v0  }
0x37: {  	v1 =	vsel vm6, $0x2001, v1;
	v2 =	vsel vm6, $0x2002, v2;
	v3 =	vsel vm6, $0x2003, v3  }
0x38: {  	v4 =	vsel vm6, $0x2004, v4;
	v5 =	vsel vm6, $0x2005, v5;
	v6 =	vsel vm6, $0x2006, v6  }
0x39: {  	v7 =	vsel vm6, $0x2007, v7;
	v8 =	vsel vm6, $0x2008, v8;
	v9 =	vsel vm6, $0x2009, v9  }
0x3a: {  	v10 =	vsel vm6, $0x200A, v10;
	v11 =	vsel vm6, $0x200B, v11;
	v12 =	vsel vm6, $0x200C, v12  }
0x3b: {  	v13 =	vsel vm6, $0x200D, v13;
	v14 =	vsel vm6, $0x200E, v14;
	v15 =	vsel vm6, $0x200F, v15  }
0x3c: {  	v0 =	vsel vm5, $0x2080, v0;
	v1 =	vsel vm5, $0x2081, v1;
	v2 =	vsel vm5, $0x2082, v2  }
0x3d: {  	v3 =	vsel vm5, $0x2083, v3;
	v4 =	vsel vm5, $0x2084, v4;
	v5 =	vsel vm5, $0x2085, v5  }
0x3e: {  	v6 =	vsel vm5, $0x2086, v6;
	v7 =	vsel vm5, $0x2087, v7;
	v8 =	vsel vm5, $0x2088, v8  }
0x3f: {  	v9 =	vsel vm5, $0x2089, v9;
	v10 =	vsel vm5, $0x208A, v10;
	v11 =	vsel vm5, $0x208B, v11  }
0x40: {  	v12 =	vsel vm5, $0x208C, v12;
	v13 =	vsel vm5, $0x208D, v13;
	v14 =	vsel vm5, $0x208E, v14  }
0x41: {  	v15 =	vsel vm5, $0x208F, v15;
	v0 =	vsel vm4, $0x2100, v0;
	v1 =	vsel vm4, $0x2101, v1  }
0x42: {  	v2 =	vsel vm4, $0x2102, v2;
	v3 =	vsel vm4, $0x2103, v3;
	v4 =	vsel vm4, $0x2104, v4  }
0x43: {  	v5 =	vsel vm4, $0x2105, v5;
	v6 =	vsel vm4, $0x2106, v6;
	v7 =	vsel vm4, $0x2107, v7  }
0x44: {  	v8 =	vsel vm4, $0x2108, v8;
	v9 =	vsel vm4, $0x2109, v9;
	v10 =	vsel vm4, $0x210A, v10  }
0x45: {  	v11 =	vsel vm4, $0x210B, v11;
	v12 =	vsel vm4, $0x210C, v12;
	v13 =	vsel vm4, $0x210D, v13  }
0x46: {  	v14 =	vsel vm4, $0x210E, v14;
	v15 =	vsel vm4, $0x210F, v15;
	v0 =	vsel vm3, $0x2180, v0  }
0x47: {  	v1 =	vsel vm3, $0x2181, v1;
	v2 =	vsel vm3, $0x2182, v2;
	v3 =	vsel vm3, $0x2183, v3  }
0x48: {  	v4 =	vsel vm3, $0x2184, v4;
	v5 =	vsel vm3, $0x2185, v5;
	v6 =	vsel vm3, $0x2186, v6  }
0x49: {  	v7 =	vsel vm3, $0x2187, v7;
	v8 =	vsel vm3, $0x2188, v8;
	v9 =	vsel vm3, $0x2189, v9  }
0x4a: {  	v10 =	vsel vm3, $0x218A, v10;
	v11 =	vsel vm3, $0x218B, v11;
	v12 =	vsel vm3, $0x218C, v12  }
0x4b: {  	v13 =	vsel vm3, $0x218D, v13;
	v14 =	vsel vm3, $0x218E, v14;
	v15 =	vsel vm3, $0x218F, v15  }
0x4c: {  	s7 =	rddreg [dreg:$0x0];
	v0 =	vsel vm2, $0x2200, v0;
	v1 =	vsel vm2, $0x2201, v1;
	v2 =	vsel vm2, $0x2202, v2  }
0x4d: {  	s0 =	rddreg [dreg:$0x1];
	v3 =	vsel vm2, $0x2203, v3;
	v4 =	vsel vm2, $0x2204, v4;
	v5 =	vsel vm2, $0x2205, v5  }
0x4e: {  	s9 =	rddreg [dreg:$0x2];
	v6 =	vsel vm2, $0x2206, v6;
	v7 =	vsel vm2, $0x2207, v7;
	v8 =	vsel vm2, $0x2208, v8  }
0x4f: {  	s3 =	srdreg.scid;
	s1 =	rddreg [dreg:$0x3];
	v9 =	vsel vm2, $0x2209, v9;
	v10 =	vsel vm2, $0x220A, v10;
	v11 =	vsel vm2, $0x220B, v11  }
0x50: {  	s2 =	simm.s32 $0x0;
	s12 =	simm.s32 $0x13D6400;
	s13 =	simm.s32 $0x1;
	v12 =	vsel vm2, $0x220C, v12;
	v13 =	vsel vm2, $0x220D, v13;
	v14 =	vsel vm2, $0x220E, v14  }
0x51: {  	s14 =	simm.s32 $0x8000;
	s15 =	simm.s32 $0x2;
	s16 =	simm.s32 $0x4000;
	v15 =	vsel vm2, $0x220F, v15;
	v0 =	vsel vm1, $0x2280, v0;
	v1 =	vsel vm1, $0x2281, v1  }
0x52: {  	s17 =	simm.s32 $0xC000;
	s18 =	simm.s32 $0x3;
	s19 =	simm.s32 $0x4;
	v2 =	vsel vm1, $0x2282, v2;
	v3 =	vsel vm1, $0x2283, v3;
	v4 =	vsel vm1, $0x2284, v4  }
0x53: {  	s20 =	simm.s32 $0x5;
	s4 =	sand.u32 $0x1, s3;
	s3 =	stileid.u32;
	v5 =	vsel vm1, $0x2285, v5;
	v6 =	vsel vm1, $0x2286, v6;
	v7 =	vsel vm1, $0x2287, v7  }
0x54: {  	[smem:$0x7FF] =	sst s2;
	s5 =	ssub.s32 $0x2, s4;
	s4 =	sshll.u32 s4, $0x4;
	v8 =	vsel vm1, $0x2288, v8;
	v9 =	vsel vm1, $0x2289, v9;
	v10 =	vsel vm1, $0x228A, v10  }
0x55: {  	_ =	strace $0x80000047;
	s31 =	sor.u32 $0x9E0, s3;
	s6 =	sshrl.u32 s5, $0x1;
	v11 =	vsel vm1, $0x228B, v11;
	v12 =	vsel vm1, $0x228C, v12;
	v13 =	vsel vm1, $0x228D, v13  }
0x56: {  	s21 =	sor.u32 s3, s4;
	s8 =	sshll.u32 s31, $0xA;
	s11 =	sshll.u32 s31, $0xB;
	v14 =	vsel vm1, $0x228E, v14;
	v15 =	vsel vm1, $0x228F, v15;
	v0 =	vsel vm0, $0x2300, v0  }
.Ltmp0:
0x57: {  	s10 =	ssub.s32 s5, s6;
	s4 =	sshll.u32 s21, $0xA;
	v1 =	vsel vm0, $0x2301, v1;
	v2 =	vsel vm0, $0x2302, v2;
	v3 =	vsel vm0, $0x2303, v3;
	(pc) =	sbr.rel .LBB2_1-.Ltmp0, $4  }
0x58: {  	s30 =	sshll.u32 s21, $0xB;
	p0 =	sgt.u32 s21, $0xA;
	p1 =	sne.s32 s21, $0x1F;
	v4 =	vsel vm0, $0x2304, v4;
	v5 =	vsel vm0, $0x2305, v5;
	v6 =	vsel vm0, $0x2306, v6  }
0x59: {  	s21 =	simm.s32 $0x0;
	s4 =	sadd.s32 s7, s4;
	s5 =	sadd.s32 s9, s30;
	v7 =	vsel vm0, $0x2307, v7;
	v8 =	vsel vm0, $0x2308, v8;
	v9 =	vsel vm0, $0x2309, v9  }
0x5a: {  	s7 =	sadd.s32 s7, s8;
	s8 =	sadd.s32 s9, s11;
	s9 =	sadd.s32 $0x4F5800, s9;
	v10 =	vsel vm0, $0x230A, v10;
	v11 =	vsel vm0, $0x230B, v11;
	v12 =	vsel vm0, $0x230C, v12  }
0x5b: {  	s10 =	smax.u32 s10, $0x1;
	s11 =	simm.s32 $0x2000;
	s6 =	sadd.s32 $0x10000, s4;
	v13 =	vsel vm0, $0x230D, v13;
	v14 =	vsel vm0, $0x230E, v14;
	v15 =	vsel vm0, $0x230F, v15  }
.LBB2_13:
0x5c: {  	s22 =	sshll.u32 @!p1 s3, $0x6  }
0x5d: {  	s22 =	sor.u32 @!p1 $0x1C05, s22  }
0x5e: {  	[hbm:s9], [sflag:s22] =	dma.local @!p1 [hbm:s0], $0x80  }
0x5f: {  	s22 =	simm.s32 @!p1 $0x5  }
0x60: {  	_ =	swait.ge @!p1 [sflag:s22], $0x80  }
0x61: {  	[sflag:s22] =	ssyncset.done @!p1 $0x0  }
0x62: {  	[sflag:s22] =	ssyncadd.s32 @!p1 $0xFFFFFF80  }
.LBB2_14:
0x63: {  	s21 =	sadd.s32 $0x1, s21  }
0x64: {  	p2 =	sne.s32 s21, s10  }
.Ltmp1:
0x65: {  	_ = 	snop;
	(pc) =	sbr.rel @!p2 .LBB2_15-.Ltmp1, $1  }
0x66: {  	_ =	sdelay $0x3  }
.LBB2_1:
.Ltmp2:
0x67: {  	(pc) =	sbr.rel .LBB2_2-.Ltmp2, $3  }
0x68: {  	_ =	sdelay $0x1  }
0x69: {  	[tilespmem:s2], [sflag:$0x1] =	stream.strided.gather [hbm4b:s4+s11], $0x4000, s12, s11, $0x38;
	[tilespmem:$0x10000] =	vst v63  }
0x6a: {  	s22 =	simm.s32 $0x0  }
.LBB2_8:
0x6b: {  	s22 =	sadd.s32 $0x1, s22  }
0x6c: {  	p2 =	sne.s32 s22, $0x28  }
.Ltmp3:
0x6d: {  	_ = 	snop;
	(pc) =	sbr.rel @!p2 .LBB2_9-.Ltmp3, $1  }
0x6e: {  	_ =	sdelay $0x3  }
.LBB2_2:
0x6f: {  	s24 =	simm.s32 $0x0  }
0x70: {  	s23 =	sshllo.u32 s22, $0x1;
	_ =	swait.ge [sflag:s13], $0x4000;
	v16 =	vmov s24  }
0x71: {  	p2 =	seq.s32 s22, $0x0;
	p3 =	sgt.u32 s23, $0x4E;
	[sflag:s13] =	ssyncset.done $0x0;
	v17 =	vshll.u32 v16, $0x3  }
0x72: {  	s25 =	sshll.u32 @!p3 s23, $0xF;
	[sflag:s13] =	ssyncadd.s32 $0xFFFFC000;
	s26 =	simm.s32 @!p3 $0x13D6400;
	v16 =	vand.u32 $0x70, v16;
	v17 =	vand.u32 $0x1C00, v17  }
0x73: {  	s28 =	simm.s32 @!p3 $0x4000;
	s24 =	sadd.s32 @!p3 s25, s4;
	s25 =	simm.s32 @!p3 $0x2000;
	v16 =	vor.u32 v16, v17  }
0x74: {  	[tilespmem:s28], [sflag:$0x2] =	stream.strided.gather @!p3 [hbm4b:s24+s25], $0x4000, s26, s25, $0x38;
	v17 =	vor.u32 v0, v16;
	[tilespmem:$0x10000] =	vst v63  }
0x75: {  	s24 =	simm.s32 @!p2 $0x3;
	v18 =	vor.u32 v1, v16  }
0x76: {  	_ =	swait.ge @!p2 [sflag:s24], $0x4000;
	v19 =	vor.u32 v2, v16  }
0x77: {  	v20 =	vor.u32 v3, v16;
	[sflag:s24] =	ssyncset.done @!p2 $0x0  }
0x78: {  	v21 =	vor.u32 v4, v16;
	[sflag:s24] =	ssyncadd.s32 @!p2 $0xFFFFC000  }
0x79: {  	v22 =	vor.u32 v5, v16;
	v17 =	vld.idx.msk [tilespmem:v17+s2+$0x0], $0xffff  }
0x7a: {  	v23 =	vor.u32 v6, v16;
	v18 =	vld.idx.msk [tilespmem:v18+s2+$0x0], $0xffff  }
0x7b: {  	v24 =	vor.u32 v7, v16;
	v19 =	vld.idx.msk [tilespmem:v19+s2+$0x0], $0xffff  }
0x7c: {  	v25 =	vor.u32 v8, v16;
	v20 =	vld.idx.msk [tilespmem:v20+s2+$0x0], $0xffff  }
0x7d: {  	v26 =	vor.u32 v15, v16;
	v21 =	vld.idx.msk [tilespmem:v21+s2+$0x0], $0xffff  }
0x7e: {  	v27 =	vor.u32 v9, v16;
	v22 =	vld.idx.msk [tilespmem:v22+s2+$0x0], $0xffff  }
0x7f: {  	v28 =	vor.u32 v10, v16;
	v23 =	vld.idx.msk [tilespmem:v23+s2+$0x0], $0xffff  }
0x80: {  	v29 =	vor.u32 v11, v16;
	v24 =	vld.idx.msk [tilespmem:v24+s2+$0x0], $0xffff  }
0x81: {  	v30 =	vor.u32 v12, v16;
	v25 =	vld.idx.msk [tilespmem:v25+s2+$0x0], $0xffff  }
0x82: {  	v31 =	vor.u32 v13, v16;
	v26 =	vld.idx.msk [tilespmem:v26+s2+$0x0], $0xffff  }
0x83: {  	v16 =	vor.u32 v14, v16;
	v27 =	vld.idx.msk [tilespmem:v27+s2+$0x0], $0xffff  }
0x84: {  	v28 =	vld.idx.msk [tilespmem:v28+s2+$0x0], $0xffff  }
0x85: {  	v29 =	vld.idx.msk [tilespmem:v29+s2+$0x0], $0xffff  }
0x86: {  	v30 =	vld.idx.msk [tilespmem:v30+s2+$0x0], $0xffff  }
0x87: {  	s24 =	simm.s32 $0x8080;
	v31 =	vld.idx.msk [tilespmem:v31+s2+$0x0], $0xffff  }
0x88: {  	v32 =	vld.idx.msk [tilespmem:v16+s2+$0x0], $0xffff;
	[tilespmem:s24+$0x70] =	vst v26  }
0x89: {  	[tilespmem:s24+$0xFFFFFF80] =	vst v17  }
0x8a: {  	[tilespmem:s24+$0xFFFFFF90] =	vst v18  }
0x8b: {  	[tilespmem:s24+$0xFFFFFFA0] =	vst v19  }
0x8c: {  	[tilespmem:s24+$0xFFFFFFB0] =	vst v20  }
0x8d: {  	[tilespmem:s24+$0xFFFFFFC0] =	vst v21  }
0x8e: {  	s31 =	simm.s32 $0x10;
	[tilespmem:s24+$0xFFFFFFD0] =	vst v22  }
0x8f: {  	v16 =	vmov s31;
	[tilespmem:s24+$0xFFFFFFE0] =	vst v23  }
0x90: {  	v17 =	vshll.u32 v16, $0x3;
	[tilespmem:s24+$0xFFFFFFF0] =	vst v24  }
0x91: {  	v16 =	vand.u32 $0x70, v16;
	[tilespmem:s24+$0x0] =	vst v25;
	v17 =	vand.u32 $0x1C00, v17  }
0x92: {  	[tilespmem:s24+$0x10] =	vst v27;
	v16 =	vor.u32 v16, v17  }
0x93: {  	[tilespmem:s24+$0x20] =	vst v28;
	v17 =	vor.u32 v0, v16  }
0x94: {  	[tilespmem:s24+$0x30] =	vst v29;
	v22 =	vor.u32 v1, v16  }
0x95: {  	[tilespmem:s24+$0x40] =	vst v30;
	v19 =	vor.u32 v2, v16  }
0x96: {  	[tilespmem:s24+$0x50] =	vst v31;
	v20 =	vor.u32 v3, v16  }
0x97: {  	[tilespmem:s24+$0x60] =	vst v32;
	v18 =	vor.u32 v4, v16  }
0x98: {  	s25 =	simm.s32 $0x20;
	v21 =	vor.u32 v5, v16;
	v17 =	vld.idx.msk [tilespmem:v17+s2+$0x0], $0xffff  }
.LBB2_3:
0x99: {  	p4 =	sne.s32 s25, $0x3F0;
	v22 =	vld.idx.msk [tilespmem:v22+s2+$0x0], $0xffff;
	v23 =	vor.u32 v6, v16  }
0x9a: {  	v24 =	vor.u32 v7, v16;
	v19 =	vld.idx.msk [tilespmem:v19+s2+$0x0], $0xffff  }
0x9b: {  	v25 =	vor.u32 v8, v16;
	v20 =	vld.idx.msk [tilespmem:v20+s2+$0x0], $0xffff  }
0x9c: {  	v26 =	vor.u32 v15, v16;
	v18 =	vld.idx.msk [tilespmem:v18+s2+$0x0], $0xffff  }
0x9d: {  	v27 =	vor.u32 v9, v16;
	v21 =	vld.idx.msk [tilespmem:v21+s2+$0x0], $0xffff  }
0x9e: {  	v28 =	vor.u32 v10, v16;
	v23 =	vld.idx.msk [tilespmem:v23+s2+$0x0], $0xffff  }
0x9f: {  	v29 =	vor.u32 v11, v16;
	v24 =	vld.idx.msk [tilespmem:v24+s2+$0x0], $0xffff  }
0xa0: {  	v30 =	vor.u32 v12, v16;
	v25 =	vld.idx.msk [tilespmem:v25+s2+$0x0], $0xffff  }
0xa1: {  	v31 =	vor.u32 v13, v16;
	v26 =	vld.idx.msk [tilespmem:v26+s2+$0x0], $0xffff  }
0xa2: {  	v16 =	vor.u32 v14, v16;
	v27 =	vld.idx.msk [tilespmem:v27+s2+$0x0], $0xffff  }
0xa3: {  	v28 =	vld.idx.msk [tilespmem:v28+s2+$0x0], $0xffff  }
0xa4: {  	v29 =	vld.idx.msk [tilespmem:v29+s2+$0x0], $0xffff  }
0xa5: {  	v30 =	vld.idx.msk [tilespmem:v30+s2+$0x0], $0xffff  }
0xa6: {  	s24 =	sadd.s32 $0x100, s24;
	v31 =	vld.idx.msk [tilespmem:v31+s2+$0x0], $0xffff  }
0xa7: {  	v32 =	vld.idx.msk [tilespmem:v16+s2+$0x0], $0xffff;
	[tilespmem:s24+$0x70] =	vst v26  }
0xa8: {  	[tilespmem:s24+$0xFFFFFF80] =	vst v17  }
0xa9: {  	[tilespmem:s24+$0xFFFFFF90] =	vst v22  }
0xaa: {  	[tilespmem:s24+$0xFFFFFFA0] =	vst v19  }
0xab: {  	[tilespmem:s24+$0xFFFFFFB0] =	vst v20  }
0xac: {  	[tilespmem:s24+$0xFFFFFFC0] =	vst v18  }
0xad: {  	[tilespmem:s24+$0xFFFFFFD0] =	vst v21  }
0xae: {  	v16 =	vmov s25;
	[tilespmem:s24+$0xFFFFFFE0] =	vst v23  }
0xaf: {  	v17 =	vshll.u32 v16, $0x3;
	[tilespmem:s24+$0xFFFFFFF0] =	vst v24  }
0xb0: {  	v16 =	vand.u32 $0x70, v16;
	v17 =	vand.u32 $0x1C00, v17;
	[tilespmem:s24+$0x0] =	vst v25  }
0xb1: {  	v16 =	vor.u32 v16, v17;
	[tilespmem:s24+$0x10] =	vst v27  }
0xb2: {  	v17 =	vor.u32 v0, v16;
	[tilespmem:s24+$0x20] =	vst v28  }
.Ltmp4:
0xb3: {  	v22 =	vor.u32 v1, v16;
	[tilespmem:s24+$0x30] =	vst v29;
	(pc) =	sbr.rel @p4 .LBB2_3-.Ltmp4, $4  }
0xb4: {  	v19 =	vor.u32 v2, v16;
	[tilespmem:s24+$0x40] =	vst v30  }
0xb5: {  	v20 =	vor.u32 v3, v16;
	[tilespmem:s24+$0x50] =	vst v31  }
0xb6: {  	v18 =	vor.u32 v4, v16;
	[tilespmem:s24+$0x60] =	vst v32  }
0xb7: {  	s25 =	sadd.s32 $0x10, s25;
	v21 =	vor.u32 v5, v16;
	v17 =	vld.idx.msk [tilespmem:v17+s2+$0x0], $0xffff  }
0xb8: {  	_ =	sdelay $0x3  }
0xb9: {  	v22 =	vld.idx.msk [tilespmem:v22+s2+$0x0], $0xffff;
	v23 =	vor.u32 v6, v16  }
0xba: {  	v19 =	vld.idx.msk [tilespmem:v19+s2+$0x0], $0xffff;
	v24 =	vor.u32 v7, v16  }
0xbb: {  	v20 =	vld.idx.msk [tilespmem:v20+s2+$0x0], $0xffff;
	v25 =	vor.u32 v8, v16  }
0xbc: {  	v18 =	vld.idx.msk [tilespmem:v18+s2+$0x0], $0xffff;
	v26 =	vor.u32 v15, v16  }
0xbd: {  	v21 =	vld.idx.msk [tilespmem:v21+s2+$0x0], $0xffff;
	v27 =	vor.u32 v9, v16  }
0xbe: {  	v28 =	vor.u32 v10, v16;
	v23 =	vld.idx.msk [tilespmem:v23+s2+$0x0], $0xffff  }
0xbf: {  	v29 =	vor.u32 v11, v16;
	v24 =	vld.idx.msk [tilespmem:v24+s2+$0x0], $0xffff  }
0xc0: {  	v30 =	vor.u32 v12, v16;
	v25 =	vld.idx.msk [tilespmem:v25+s2+$0x0], $0xffff  }
0xc1: {  	v31 =	vor.u32 v13, v16;
	v26 =	vld.idx.msk [tilespmem:v26+s2+$0x0], $0xffff  }
0xc2: {  	v16 =	vor.u32 v14, v16;
	v27 =	vld.idx.msk [tilespmem:v27+s2+$0x0], $0xffff  }
0xc3: {  	v28 =	vld.idx.msk [tilespmem:v28+s2+$0x0], $0xffff  }
0xc4: {  	v29 =	vld.idx.msk [tilespmem:v29+s2+$0x0], $0xffff  }
0xc5: {  	v30 =	vld.idx.msk [tilespmem:v30+s2+$0x0], $0xffff  }
0xc6: {  	s24 =	sadd.s32 $0x100, s24;
	v31 =	vld.idx.msk [tilespmem:v31+s2+$0x0], $0xffff  }
0xc7: {  	v16 =	vld.idx.msk [tilespmem:v16+s2+$0x0], $0xffff;
	[tilespmem:s24+$0xFFFFFF80] =	vst v17  }
0xc8: {  	[tilespmem:s24+$0xFFFFFF90] =	vst v22  }
0xc9: {  	[tilespmem:s24+$0xFFFFFFA0] =	vst v19  }
0xca: {  	[tilespmem:s24+$0xFFFFFFB0] =	vst v20  }
0xcb: {  	[tilespmem:s24+$0xFFFFFFC0] =	vst v18  }
0xcc: {  	[tilespmem:s24+$0xFFFFFFD0] =	vst v21  }
0xcd: {  	[tilespmem:s24+$0x70] =	vst v26  }
0xce: {  	[tilespmem:s24+$0xFFFFFFE0] =	vst v23  }
0xcf: {  	[tilespmem:s24+$0xFFFFFFF0] =	vst v24  }
0xd0: {  	[tilespmem:s24+$0x0] =	vst v25  }
0xd1: {  	[tilespmem:s24+$0x10] =	vst v27  }
0xd2: {  	[tilespmem:s24+$0x20] =	vst v28  }
.Ltmp5:
0xd3: {  	[tilespmem:s24+$0x30] =	vst v29;
	(pc) =	sbr.rel @p3 .LBB2_8-.Ltmp5, $4  }
0xd4: {  	[tilespmem:s24+$0x40] =	vst v30  }
0xd5: {  	s25 =	sshll.u32 s22, $0x11;
	[tilespmem:s24+$0x50] =	vst v31  }
0xd6: {  	s31 =	sadd.s32 s25, s5;
	[tilespmem:s24+$0x60] =	vst v16  }
0xd7: {  	[hbm4b:s31+s2] =	stream.linear.scatter [tilespmem:s14], [sflag:$0x3], $0x4000, $0x38;
	[tilespmem:$0x10000] =	vst v63  }
0xd8: {  	s24 =	simm.s32 $0x0  }
0xd9: {  	v16 =	vmov s24  }
0xda: {  	_ =	swait.ge [sflag:s15], $0x4000;
	v17 =	vshll.u32 v16, $0x3  }
0xdb: {  	s31 =	sshll.u32 s22, $0x10;
	[sflag:s15] =	ssyncset.done $0x0;
	v16 =	vand.u32 $0x70, v16;
	v17 =	vand.u32 $0x1C00, v17  }
0xdc: {  	s24 =	sadd.s32 s31, s6;
	[sflag:s15] =	ssyncadd.s32 $0xFFFFC000;
	v16 =	vor.u32 v16, v17  }
0xdd: {  	[tilespmem:s2], [sflag:$0x1] =	stream.strided.gather [hbm4b:s24+s11], $0x4000, s12, s11, $0x38;
	v17 =	vor.u32 v0, v16;
	[tilespmem:$0x10000] =	vst v63  }
0xde: {  	s24 =	simm.s32 @!p2 $0x4;
	v18 =	vor.u32 v1, v16  }
0xdf: {  	_ =	swait.ge @!p2 [sflag:s24], $0x4000;
	v19 =	vor.u32 v2, v16  }
0xe0: {  	[sflag:s24] =	ssyncset.done @!p2 $0x0;
	v20 =	vor.u32 v3, v16  }
0xe1: {  	v21 =	vor.u32 v4, v16;
	[sflag:s24] =	ssyncadd.s32 @!p2 $0xFFFFC000  }
0xe2: {  	v22 =	vor.u32 v5, v16;
	v17 =	vld.idx.msk [tilespmem:v17+s16+$0x0], $0xffff  }
0xe3: {  	v23 =	vor.u32 v6, v16;
	v18 =	vld.idx.msk [tilespmem:v18+s16+$0x0], $0xffff  }
0xe4: {  	v24 =	vor.u32 v7, v16;
	v19 =	vld.idx.msk [tilespmem:v19+s16+$0x0], $0xffff  }
0xe5: {  	v25 =	vor.u32 v8, v16;
	v20 =	vld.idx.msk [tilespmem:v20+s16+$0x0], $0xffff  }
0xe6: {  	v26 =	vor.u32 v15, v16;
	v21 =	vld.idx.msk [tilespmem:v21+s16+$0x0], $0xffff  }
0xe7: {  	v27 =	vor.u32 v9, v16;
	v22 =	vld.idx.msk [tilespmem:v22+s16+$0x0], $0xffff  }
0xe8: {  	v28 =	vor.u32 v10, v16;
	v23 =	vld.idx.msk [tilespmem:v23+s16+$0x0], $0xffff  }
0xe9: {  	v29 =	vor.u32 v11, v16;
	v24 =	vld.idx.msk [tilespmem:v24+s16+$0x0], $0xffff  }
0xea: {  	v30 =	vor.u32 v12, v16;
	v25 =	vld.idx.msk [tilespmem:v25+s16+$0x0], $0xffff  }
0xeb: {  	v31 =	vor.u32 v13, v16;
	v26 =	vld.idx.msk [tilespmem:v26+s16+$0x0], $0xffff  }
0xec: {  	v16 =	vor.u32 v14, v16;
	v27 =	vld.idx.msk [tilespmem:v27+s16+$0x0], $0xffff  }
0xed: {  	v28 =	vld.idx.msk [tilespmem:v28+s16+$0x0], $0xffff  }
0xee: {  	v29 =	vld.idx.msk [tilespmem:v29+s16+$0x0], $0xffff  }
0xef: {  	v30 =	vld.idx.msk [tilespmem:v30+s16+$0x0], $0xffff  }
0xf0: {  	s24 =	simm.s32 $0xC080;
	v31 =	vld.idx.msk [tilespmem:v31+s16+$0x0], $0xffff  }
0xf1: {  	v32 =	vld.idx.msk [tilespmem:v16+s16+$0x0], $0xffff;
	[tilespmem:s24+$0x70] =	vst v26  }
0xf2: {  	[tilespmem:s24+$0xFFFFFF80] =	vst v17  }
0xf3: {  	[tilespmem:s24+$0xFFFFFF90] =	vst v18  }
0xf4: {  	[tilespmem:s24+$0xFFFFFFA0] =	vst v19  }
0xf5: {  	[tilespmem:s24+$0xFFFFFFB0] =	vst v20  }
0xf6: {  	[tilespmem:s24+$0xFFFFFFC0] =	vst v21  }
0xf7: {  	s25 =	simm.s32 $0x10;
	[tilespmem:s24+$0xFFFFFFD0] =	vst v22  }
0xf8: {  	v16 =	vmov s25;
	[tilespmem:s24+$0xFFFFFFE0] =	vst v23  }
0xf9: {  	v17 =	vshll.u32 v16, $0x3;
	[tilespmem:s24+$0xFFFFFFF0] =	vst v24  }
0xfa: {  	v16 =	vand.u32 $0x70, v16;
	[tilespmem:s24+$0x0] =	vst v25;
	v17 =	vand.u32 $0x1C00, v17  }
0xfb: {  	[tilespmem:s24+$0x10] =	vst v27;
	v16 =	vor.u32 v16, v17  }
0xfc: {  	[tilespmem:s24+$0x20] =	vst v28;
	v17 =	vor.u32 v0, v16  }
0xfd: {  	[tilespmem:s24+$0x30] =	vst v29;
	v22 =	vor.u32 v1, v16  }
0xfe: {  	[tilespmem:s24+$0x40] =	vst v30;
	v19 =	vor.u32 v2, v16  }
0xff: {  	[tilespmem:s24+$0x50] =	vst v31;
	v20 =	vor.u32 v3, v16  }
0x100: {  	[tilespmem:s24+$0x60] =	vst v32;
	v18 =	vor.u32 v4, v16  }
0x101: {  	s25 =	simm.s32 $0x20;
	v21 =	vor.u32 v5, v16;
	v17 =	vld.idx.msk [tilespmem:v17+s16+$0x0], $0xffff  }
.LBB2_6:
0x102: {  	p2 =	sne.s32 s25, $0x3F0;
	v22 =	vld.idx.msk [tilespmem:v22+s16+$0x0], $0xffff;
	v23 =	vor.u32 v6, v16  }
0x103: {  	v24 =	vor.u32 v7, v16;
	v19 =	vld.idx.msk [tilespmem:v19+s16+$0x0], $0xffff  }
0x104: {  	v25 =	vor.u32 v8, v16;
	v20 =	vld.idx.msk [tilespmem:v20+s16+$0x0], $0xffff  }
0x105: {  	v26 =	vor.u32 v15, v16;
	v18 =	vld.idx.msk [tilespmem:v18+s16+$0x0], $0xffff  }
0x106: {  	v27 =	vor.u32 v9, v16;
	v21 =	vld.idx.msk [tilespmem:v21+s16+$0x0], $0xffff  }
0x107: {  	v28 =	vor.u32 v10, v16;
	v23 =	vld.idx.msk [tilespmem:v23+s16+$0x0], $0xffff  }
0x108: {  	v29 =	vor.u32 v11, v16;
	v24 =	vld.idx.msk [tilespmem:v24+s16+$0x0], $0xffff  }
0x109: {  	v30 =	vor.u32 v12, v16;
	v25 =	vld.idx.msk [tilespmem:v25+s16+$0x0], $0xffff  }
0x10a: {  	v31 =	vor.u32 v13, v16;
	v26 =	vld.idx.msk [tilespmem:v26+s16+$0x0], $0xffff  }
0x10b: {  	v16 =	vor.u32 v14, v16;
	v27 =	vld.idx.msk [tilespmem:v27+s16+$0x0], $0xffff  }
0x10c: {  	v28 =	vld.idx.msk [tilespmem:v28+s16+$0x0], $0xffff  }
0x10d: {  	v29 =	vld.idx.msk [tilespmem:v29+s16+$0x0], $0xffff  }
0x10e: {  	v30 =	vld.idx.msk [tilespmem:v30+s16+$0x0], $0xffff  }
0x10f: {  	s24 =	sadd.s32 $0x100, s24;
	v31 =	vld.idx.msk [tilespmem:v31+s16+$0x0], $0xffff  }
0x110: {  	v32 =	vld.idx.msk [tilespmem:v16+s16+$0x0], $0xffff;
	[tilespmem:s24+$0x70] =	vst v26  }
0x111: {  	[tilespmem:s24+$0xFFFFFF80] =	vst v17  }
0x112: {  	[tilespmem:s24+$0xFFFFFF90] =	vst v22  }
0x113: {  	[tilespmem:s24+$0xFFFFFFA0] =	vst v19  }
0x114: {  	[tilespmem:s24+$0xFFFFFFB0] =	vst v20  }
0x115: {  	[tilespmem:s24+$0xFFFFFFC0] =	vst v18  }
0x116: {  	[tilespmem:s24+$0xFFFFFFD0] =	vst v21  }
0x117: {  	v16 =	vmov s25;
	[tilespmem:s24+$0xFFFFFFE0] =	vst v23  }
0x118: {  	v17 =	vshll.u32 v16, $0x3;
	[tilespmem:s24+$0xFFFFFFF0] =	vst v24  }
0x119: {  	v16 =	vand.u32 $0x70, v16;
	v17 =	vand.u32 $0x1C00, v17;
	[tilespmem:s24+$0x0] =	vst v25  }
0x11a: {  	v16 =	vor.u32 v16, v17;
	[tilespmem:s24+$0x10] =	vst v27  }
0x11b: {  	v17 =	vor.u32 v0, v16;
	[tilespmem:s24+$0x20] =	vst v28  }
.Ltmp6:
0x11c: {  	v22 =	vor.u32 v1, v16;
	[tilespmem:s24+$0x30] =	vst v29;
	(pc) =	sbr.rel @p2 .LBB2_6-.Ltmp6, $4  }
0x11d: {  	v19 =	vor.u32 v2, v16;
	[tilespmem:s24+$0x40] =	vst v30  }
0x11e: {  	v20 =	vor.u32 v3, v16;
	[tilespmem:s24+$0x50] =	vst v31  }
0x11f: {  	v18 =	vor.u32 v4, v16;
	[tilespmem:s24+$0x60] =	vst v32  }
0x120: {  	s25 =	sadd.s32 $0x10, s25;
	v21 =	vor.u32 v5, v16;
	v17 =	vld.idx.msk [tilespmem:v17+s16+$0x0], $0xffff  }
0x121: {  	_ =	sdelay $0x3  }
0x122: {  	v22 =	vld.idx.msk [tilespmem:v22+s16+$0x0], $0xffff;
	v23 =	vor.u32 v6, v16  }
0x123: {  	v19 =	vld.idx.msk [tilespmem:v19+s16+$0x0], $0xffff;
	v24 =	vor.u32 v7, v16  }
0x124: {  	v20 =	vld.idx.msk [tilespmem:v20+s16+$0x0], $0xffff;
	v25 =	vor.u32 v8, v16  }
0x125: {  	v18 =	vld.idx.msk [tilespmem:v18+s16+$0x0], $0xffff;
	v26 =	vor.u32 v15, v16  }
0x126: {  	v21 =	vld.idx.msk [tilespmem:v21+s16+$0x0], $0xffff;
	v27 =	vor.u32 v9, v16  }
0x127: {  	v28 =	vor.u32 v10, v16;
	v23 =	vld.idx.msk [tilespmem:v23+s16+$0x0], $0xffff  }
0x128: {  	v29 =	vor.u32 v11, v16;
	v24 =	vld.idx.msk [tilespmem:v24+s16+$0x0], $0xffff  }
0x129: {  	v30 =	vor.u32 v12, v16;
	v25 =	vld.idx.msk [tilespmem:v25+s16+$0x0], $0xffff  }
0x12a: {  	v31 =	vor.u32 v13, v16;
	v26 =	vld.idx.msk [tilespmem:v26+s16+$0x0], $0xffff  }
0x12b: {  	v16 =	vor.u32 v14, v16;
	v27 =	vld.idx.msk [tilespmem:v27+s16+$0x0], $0xffff  }
0x12c: {  	v28 =	vld.idx.msk [tilespmem:v28+s16+$0x0], $0xffff  }
0x12d: {  	v29 =	vld.idx.msk [tilespmem:v29+s16+$0x0], $0xffff  }
0x12e: {  	v30 =	vld.idx.msk [tilespmem:v30+s16+$0x0], $0xffff  }
0x12f: {  	s24 =	sadd.s32 $0x100, s24;
	v31 =	vld.idx.msk [tilespmem:v31+s16+$0x0], $0xffff  }
0x130: {  	v16 =	vld.idx.msk [tilespmem:v16+s16+$0x0], $0xffff;
	[tilespmem:s24+$0xFFFFFF80] =	vst v17  }
0x131: {  	[tilespmem:s24+$0xFFFFFF90] =	vst v22  }
0x132: {  	[tilespmem:s24+$0xFFFFFFA0] =	vst v19  }
0x133: {  	[tilespmem:s24+$0xFFFFFFB0] =	vst v20  }
0x134: {  	[tilespmem:s24+$0xFFFFFFC0] =	vst v18  }
0x135: {  	[tilespmem:s24+$0xFFFFFFD0] =	vst v21  }
0x136: {  	[tilespmem:s24+$0x70] =	vst v26  }
0x137: {  	[tilespmem:s24+$0xFFFFFFE0] =	vst v23  }
0x138: {  	[tilespmem:s24+$0xFFFFFFF0] =	vst v24  }
0x139: {  	[tilespmem:s24+$0x0] =	vst v25  }
0x13a: {  	[tilespmem:s24+$0x10] =	vst v27  }
0x13b: {  	[tilespmem:s24+$0x20] =	vst v28  }
.Ltmp7:
0x13c: {  	[tilespmem:s24+$0x30] =	vst v29;
	(pc) =	sbr.rel .LBB2_8-.Ltmp7, $4  }
0x13d: {  	[tilespmem:s24+$0x40] =	vst v30  }
0x13e: {  	s23 =	sshll.u32 s23, $0x10;
	[tilespmem:s24+$0x50] =	vst v31  }
0x13f: {  	s23 =	sadd.s32 s23, s5;
	[tilespmem:s24+$0x60] =	vst v16  }
0x140: {  	[hbm4b:s23+s2] =	stream.linear.scatter [tilespmem:s17], [sflag:$0x4], $0x4000, $0x38;
	[tilespmem:$0x10000] =	vst v63  }
.LBB2_9:
0x141: {  	_ =	swait.ge [sflag:s18], $0x4000  }
.Ltmp8:
0x142: {  	[sflag:s18] =	ssyncset.done $0x0;
	(pc) =	sbr.rel @p0 .LBB2_13-.Ltmp8, $4  }
0x143: {  	[sflag:s18] =	ssyncadd.s32 $0xFFFFC000  }
0x144: {  	_ =	swait.ge [sflag:s19], $0x4000  }
0x145: {  	[sflag:s19] =	ssyncset.done $0x0  }
0x146: {  	[sflag:s19] =	ssyncadd.s32 $0xFFFFC000  }
0x147: {  	s22 =	simm.s32 $0x0  }
0x148: {  	v16 =	vmov s22  }
0x149: {  	v17 =	vshll.u32 v16, $0x3  }
0x14a: {  	v16 =	vand.u32 $0x70, v16;
	v17 =	vand.u32 $0x1C00, v17  }
0x14b: {  	v16 =	vor.u32 v16, v17  }
0x14c: {  	v17 =	vor.u32 v0, v16  }
0x14d: {  	[tilespmem:s22], [sflag:$0x1] =	stream.strided.gather [hbm4b:s7+s11], $0x4000, s12, s11, $0x38;
	v18 =	vor.u32 v1, v16;
	[tilespmem:$0x10000] =	vst v63  }
0x14e: {  	_ =	swait.ge [sflag:s13], $0x4000;
	v19 =	vor.u32 v2, v16  }
0x14f: {  	[sflag:s13] =	ssyncset.done $0x0;
	v20 =	vor.u32 v3, v16  }
0x150: {  	[sflag:s13] =	ssyncadd.s32 $0xFFFFC000;
	v21 =	vor.u32 v4, v16  }
0x151: {  	v22 =	vor.u32 v5, v16;
	v17 =	vld.idx.msk [tilespmem:v17+s2+$0x0], $0xffff  }
0x152: {  	v23 =	vor.u32 v6, v16;
	v18 =	vld.idx.msk [tilespmem:v18+s2+$0x0], $0xffff  }
0x153: {  	v24 =	vor.u32 v7, v16;
	v19 =	vld.idx.msk [tilespmem:v19+s2+$0x0], $0xffff  }
0x154: {  	v25 =	vor.u32 v8, v16;
	v20 =	vld.idx.msk [tilespmem:v20+s2+$0x0], $0xffff  }
0x155: {  	v26 =	vor.u32 v15, v16;
	v21 =	vld.idx.msk [tilespmem:v21+s2+$0x0], $0xffff  }
0x156: {  	v27 =	vor.u32 v9, v16;
	v22 =	vld.idx.msk [tilespmem:v22+s2+$0x0], $0xffff  }
0x157: {  	v28 =	vor.u32 v10, v16;
	v23 =	vld.idx.msk [tilespmem:v23+s2+$0x0], $0xffff  }
0x158: {  	v29 =	vor.u32 v11, v16;
	v24 =	vld.idx.msk [tilespmem:v24+s2+$0x0], $0xffff  }
0x159: {  	v30 =	vor.u32 v12, v16;
	v25 =	vld.idx.msk [tilespmem:v25+s2+$0x0], $0xffff  }
0x15a: {  	v31 =	vor.u32 v13, v16;
	v26 =	vld.idx.msk [tilespmem:v26+s2+$0x0], $0xffff  }
0x15b: {  	v16 =	vor.u32 v14, v16;
	v27 =	vld.idx.msk [tilespmem:v27+s2+$0x0], $0xffff  }
0x15c: {  	v28 =	vld.idx.msk [tilespmem:v28+s2+$0x0], $0xffff  }
0x15d: {  	v29 =	vld.idx.msk [tilespmem:v29+s2+$0x0], $0xffff  }
0x15e: {  	v30 =	vld.idx.msk [tilespmem:v30+s2+$0x0], $0xffff  }
0x15f: {  	s22 =	simm.s32 $0x8080;
	v31 =	vld.idx.msk [tilespmem:v31+s2+$0x0], $0xffff  }
0x160: {  	v32 =	vld.idx.msk [tilespmem:v16+s2+$0x0], $0xffff;
	[tilespmem:s22+$0x70] =	vst v26  }
0x161: {  	[tilespmem:s22+$0xFFFFFF80] =	vst v17  }
0x162: {  	[tilespmem:s22+$0xFFFFFF90] =	vst v18  }
0x163: {  	[tilespmem:s22+$0xFFFFFFA0] =	vst v19  }
0x164: {  	[tilespmem:s22+$0xFFFFFFB0] =	vst v20  }
0x165: {  	[tilespmem:s22+$0xFFFFFFC0] =	vst v21  }
0x166: {  	s23 =	simm.s32 $0x10;
	[tilespmem:s22+$0xFFFFFFD0] =	vst v22  }
0x167: {  	v16 =	vmov s23;
	[tilespmem:s22+$0xFFFFFFE0] =	vst v23  }
0x168: {  	v17 =	vshll.u32 v16, $0x3;
	[tilespmem:s22+$0xFFFFFFF0] =	vst v24  }
0x169: {  	v16 =	vand.u32 $0x70, v16;
	[tilespmem:s22+$0x0] =	vst v25;
	v17 =	vand.u32 $0x1C00, v17  }
0x16a: {  	[tilespmem:s22+$0x10] =	vst v27;
	v16 =	vor.u32 v16, v17  }
0x16b: {  	[tilespmem:s22+$0x20] =	vst v28;
	v17 =	vor.u32 v0, v16  }
0x16c: {  	[tilespmem:s22+$0x30] =	vst v29;
	v22 =	vor.u32 v1, v16  }
0x16d: {  	[tilespmem:s22+$0x40] =	vst v30;
	v19 =	vor.u32 v2, v16  }
0x16e: {  	[tilespmem:s22+$0x50] =	vst v31;
	v20 =	vor.u32 v3, v16  }
0x16f: {  	[tilespmem:s22+$0x60] =	vst v32;
	v18 =	vor.u32 v4, v16  }
0x170: {  	s23 =	simm.s32 $0x20;
	v21 =	vor.u32 v5, v16;
	v17 =	vld.idx.msk [tilespmem:v17+s2+$0x0], $0xffff  }
.LBB2_11:
0x171: {  	p2 =	sne.s32 s23, $0x3F0;
	v22 =	vld.idx.msk [tilespmem:v22+s2+$0x0], $0xffff;
	v23 =	vor.u32 v6, v16  }
0x172: {  	v24 =	vor.u32 v7, v16;
	v19 =	vld.idx.msk [tilespmem:v19+s2+$0x0], $0xffff  }
0x173: {  	v25 =	vor.u32 v8, v16;
	v20 =	vld.idx.msk [tilespmem:v20+s2+$0x0], $0xffff  }
0x174: {  	v26 =	vor.u32 v15, v16;
	v18 =	vld.idx.msk [tilespmem:v18+s2+$0x0], $0xffff  }
0x175: {  	v27 =	vor.u32 v9, v16;
	v21 =	vld.idx.msk [tilespmem:v21+s2+$0x0], $0xffff  }
0x176: {  	v28 =	vor.u32 v10, v16;
	v23 =	vld.idx.msk [tilespmem:v23+s2+$0x0], $0xffff  }
0x177: {  	v29 =	vor.u32 v11, v16;
	v24 =	vld.idx.msk [tilespmem:v24+s2+$0x0], $0xffff  }
0x178: {  	v30 =	vor.u32 v12, v16;
	v25 =	vld.idx.msk [tilespmem:v25+s2+$0x0], $0xffff  }
0x179: {  	v31 =	vor.u32 v13, v16;
	v26 =	vld.idx.msk [tilespmem:v26+s2+$0x0], $0xffff  }
0x17a: {  	v16 =	vor.u32 v14, v16;
	v27 =	vld.idx.msk [tilespmem:v27+s2+$0x0], $0xffff  }
0x17b: {  	v28 =	vld.idx.msk [tilespmem:v28+s2+$0x0], $0xffff  }
0x17c: {  	v29 =	vld.idx.msk [tilespmem:v29+s2+$0x0], $0xffff  }
0x17d: {  	v30 =	vld.idx.msk [tilespmem:v30+s2+$0x0], $0xffff  }
0x17e: {  	s22 =	sadd.s32 $0x100, s22;
	v31 =	vld.idx.msk [tilespmem:v31+s2+$0x0], $0xffff  }
0x17f: {  	v32 =	vld.idx.msk [tilespmem:v16+s2+$0x0], $0xffff;
	[tilespmem:s22+$0x70] =	vst v26  }
0x180: {  	[tilespmem:s22+$0xFFFFFF80] =	vst v17  }
0x181: {  	[tilespmem:s22+$0xFFFFFF90] =	vst v22  }
0x182: {  	[tilespmem:s22+$0xFFFFFFA0] =	vst v19  }
0x183: {  	[tilespmem:s22+$0xFFFFFFB0] =	vst v20  }
0x184: {  	[tilespmem:s22+$0xFFFFFFC0] =	vst v18  }
0x185: {  	[tilespmem:s22+$0xFFFFFFD0] =	vst v21  }
0x186: {  	v16 =	vmov s23;
	[tilespmem:s22+$0xFFFFFFE0] =	vst v23  }
0x187: {  	v17 =	vshll.u32 v16, $0x3;
	[tilespmem:s22+$0xFFFFFFF0] =	vst v24  }
0x188: {  	v16 =	vand.u32 $0x70, v16;
	v17 =	vand.u32 $0x1C00, v17;
	[tilespmem:s22+$0x0] =	vst v25  }
0x189: {  	v16 =	vor.u32 v16, v17;
	[tilespmem:s22+$0x10] =	vst v27  }
0x18a: {  	v17 =	vor.u32 v0, v16;
	[tilespmem:s22+$0x20] =	vst v28  }
.Ltmp9:
0x18b: {  	v22 =	vor.u32 v1, v16;
	[tilespmem:s22+$0x30] =	vst v29;
	(pc) =	sbr.rel @p2 .LBB2_11-.Ltmp9, $4  }
0x18c: {  	v19 =	vor.u32 v2, v16;
	[tilespmem:s22+$0x40] =	vst v30  }
0x18d: {  	v20 =	vor.u32 v3, v16;
	[tilespmem:s22+$0x50] =	vst v31  }
0x18e: {  	v18 =	vor.u32 v4, v16;
	[tilespmem:s22+$0x60] =	vst v32  }
0x18f: {  	s23 =	sadd.s32 $0x10, s23;
	v21 =	vor.u32 v5, v16;
	v17 =	vld.idx.msk [tilespmem:v17+s2+$0x0], $0xffff  }
0x190: {  	_ =	sdelay $0x3  }
0x191: {  	v22 =	vld.idx.msk [tilespmem:v22+s2+$0x0], $0xffff;
	v23 =	vor.u32 v6, v16  }
0x192: {  	v19 =	vld.idx.msk [tilespmem:v19+s2+$0x0], $0xffff;
	v24 =	vor.u32 v7, v16  }
0x193: {  	v20 =	vld.idx.msk [tilespmem:v20+s2+$0x0], $0xffff;
	v25 =	vor.u32 v8, v16  }
0x194: {  	v18 =	vld.idx.msk [tilespmem:v18+s2+$0x0], $0xffff;
	v26 =	vor.u32 v15, v16  }
0x195: {  	v21 =	vld.idx.msk [tilespmem:v21+s2+$0x0], $0xffff;
	v27 =	vor.u32 v9, v16  }
0x196: {  	v28 =	vor.u32 v10, v16;
	v23 =	vld.idx.msk [tilespmem:v23+s2+$0x0], $0xffff  }
0x197: {  	v29 =	vor.u32 v11, v16;
	v24 =	vld.idx.msk [tilespmem:v24+s2+$0x0], $0xffff  }
0x198: {  	v30 =	vor.u32 v12, v16;
	v25 =	vld.idx.msk [tilespmem:v25+s2+$0x0], $0xffff  }
0x199: {  	v31 =	vor.u32 v13, v16;
	v26 =	vld.idx.msk [tilespmem:v26+s2+$0x0], $0xffff  }
0x19a: {  	v16 =	vor.u32 v14, v16;
	v27 =	vld.idx.msk [tilespmem:v27+s2+$0x0], $0xffff  }
0x19b: {  	v28 =	vld.idx.msk [tilespmem:v28+s2+$0x0], $0xffff  }
0x19c: {  	v29 =	vld.idx.msk [tilespmem:v29+s2+$0x0], $0xffff  }
0x19d: {  	v30 =	vld.idx.msk [tilespmem:v30+s2+$0x0], $0xffff  }
0x19e: {  	s22 =	sadd.s32 $0x100, s22;
	v31 =	vld.idx.msk [tilespmem:v31+s2+$0x0], $0xffff  }
0x19f: {  	v16 =	vld.idx.msk [tilespmem:v16+s2+$0x0], $0xffff;
	[tilespmem:s22+$0xFFFFFF80] =	vst v17  }
0x1a0: {  	[tilespmem:s22+$0xFFFFFF90] =	vst v22  }
0x1a1: {  	[tilespmem:s22+$0xFFFFFFA0] =	vst v19  }
0x1a2: {  	[tilespmem:s22+$0xFFFFFFB0] =	vst v20  }
0x1a3: {  	[tilespmem:s22+$0xFFFFFFC0] =	vst v18  }
0x1a4: {  	[tilespmem:s22+$0xFFFFFFD0] =	vst v21  }
0x1a5: {  	[tilespmem:s22+$0x70] =	vst v26  }
0x1a6: {  	[tilespmem:s22+$0xFFFFFFE0] =	vst v23  }
0x1a7: {  	[tilespmem:s22+$0xFFFFFFF0] =	vst v24  }
0x1a8: {  	[tilespmem:s22+$0x0] =	vst v25  }
0x1a9: {  	[tilespmem:s22+$0x10] =	vst v27  }
0x1aa: {  	[tilespmem:s22+$0x20] =	vst v28  }
0x1ab: {  	[tilespmem:s22+$0x30] =	vst v29  }
0x1ac: {  	[tilespmem:s22+$0x40] =	vst v30  }
0x1ad: {  	[tilespmem:s22+$0x50] =	vst v31  }
.Ltmp10:
0x1ae: {  	[tilespmem:s22+$0x60] =	vst v16;
	(pc) =	sbr.rel .LBB2_14-.Ltmp10, $4  }
0x1af: {  	[hbm4b:s8+s2] =	stream.linear.scatter [tilespmem:s14], [sflag:$0x5], $0x4000, $0x38;
	[tilespmem:$0x10000] =	vst v63  }
0x1b0: {  	_ =	swait.ge [sflag:s20], $0x4000  }
0x1b1: {  	[sflag:s20] =	ssyncset.done $0x0  }
0x1b2: {  	[sflag:s20] =	ssyncadd.s32 $0xFFFFC000  }
.LBB2_15:
0x1b3: {  	_ =	sfence.sel $0x180000  }
0x1b4: {  	[bflag:$0x0] =	sbarrier.arrive $0xFFFF  }
0x1b5: {  	p0 =	sne.s32 s3, $0x0;
	_ =	strace $0x90000047  }
0x1b6: {  	s0 =	sadd.s32 @!p0 $0x100000, s1;
	[bflag:$0x2] =	sbarrier.arrive $0xFFFF  }
0x1b7: {  	[sflag:s0] =	ssyncadd.tile.s32 @!p0 $0x1;
	_ =	shalt  }
.Lfunc_end2:
_tile_overlayer_lowered:
.L_overlay_start_2:
0x1b8: {  	(tag) =	ssettag $0x2  }
0x1b9: {  	s0 =	rddreg [dreg:$0x0];
	s2 =	stileid.u32  }
0x1ba: {  	s1 =	rddreg [dreg:$0x1];
	p0 =	sne.s32 s2, $0x0  }
0x1bb: {  	s3 =	rddreg [dreg:$0x2];
	[bflag:$0x3] =	sbarrier.arrive $0xFFFF;
	s2 =	simm.s32 @!p0 $0x1C05  }
0x1bc: {  	[timem:s3], [sflag:s2] =	dma.local @!p0 [hbm:s0], s1  }
0x1bd: {  	s0 =	simm.s32 @!p0 $0x5  }
0x1be: {  	_ =	swait.ge @!p0 [sflag:s0], s1  }
0x1bf: {  	s1 =	ssub.s32 @!p0 $0x0, s1;
	[sflag:s0] =	ssyncset.done @!p0 $0x0  }
0x1c0: {  	[sflag:s0] =	ssyncadd.s32 @!p0 s1  }
0x1c1: {  	[bflag:$0x3] =	sbarrier.arrive $0xFFFF  }
0x1c2: {  	_ =	shalt  }

</sc_bundles>
